<compile_context>
chip_gen: v7x
topology: tpu7x:2x2x1
jax: 0.10.2.dev20260603
libtpu: 0.0.44.dev20260713+nightly
codegen_flags: <defaults>
</compile_context>

<pallas_src>
import functools

import jax
import jax.numpy as jnp
from jax import lax
from jax.experimental import pallas as pl
from jax.experimental.pallas import tpu as pltpu
from jax.experimental.pallas import tpu_sc as plsc

_NC = 2
_NS = 16
_NW = _NC * _NS
_L = 16

_FIELD_SIZE = 40000
_PIECES = 5


@functools.partial(jax.jit, static_argnums=(3, 4))
def _sc_lookup_sum(x_prep, table_flat, bias_b, B, F):
    rpt = B // _NW
    chunk = F * rpt
    fcuts = (0, 7, 13, 20, 26)
    fcnt = tuple(fcuts[i + 1] - fcuts[i] for i in range(4))
    glen = tuple(c * rpt for c in fcnt)
    goff = tuple(fcuts[i] * rpt for i in range(4))
    n_slices = rpt // _L
    tbl_n = F * _FIELD_SIZE
    share = tbl_n // _NS
    piece = share // _PIECES

    mesh = plsc.VectorSubcoreMesh(
        core_axis_name="c", subcore_axis_name="s",
        num_cores=_NC, num_subcores=_NS)

    @functools.partial(
        pl.kernel,
        out_type=jax.ShapeDtypeStruct((B,), jnp.float32),
        mesh=mesh,
        scratch_types=[
            pltpu.VMEM_SHARED((tbl_n,), jnp.float32),
            pltpu.VMEM((piece,), jnp.float32),
            pltpu.VMEM((piece,), jnp.float32),
            pltpu.VMEM((glen[0],), jnp.int32),
            pltpu.VMEM((glen[1],), jnp.int32),
            pltpu.VMEM((glen[2],), jnp.int32),
            pltpu.VMEM((glen[3],), jnp.int32),
            pltpu.VMEM((glen[0],), jnp.float32),
            pltpu.VMEM((glen[1],), jnp.float32),
            pltpu.VMEM((glen[2],), jnp.float32),
            pltpu.VMEM((glen[3],), jnp.float32),
            pltpu.VMEM((rpt,), jnp.float32),
            pltpu.VMEM((_L,), jnp.float32),
            pltpu.SemaphoreType.DMA,
            pltpu.SemaphoreType.DMA,
            pltpu.SemaphoreType.DMA,
            pltpu.SemaphoreType.DMA,
            pltpu.SemaphoreType.DMA,
            pltpu.SemaphoreType.DMA,
        ],
    )
    def body(x_hbm, table_hbm, bias_hbm, out_hbm, tbl_s, stage_a, stage_b,
             idx_0, idx_1, idx_2, idx_3, rows_0, rows_1, rows_2, rows_3,
             out_v, bias_v, sem_i, sem_ha, sem_hb, sem_sa, sem_sb, sem_g):
        idx = (idx_0, idx_1, idx_2, idx_3)
        rows = (rows_0, rows_1, rows_2, rows_3)
        wid = lax.axis_index("s") * _NC + lax.axis_index("c")
        sid = lax.axis_index("s")
        base = wid * chunk

        icopies = [
            pltpu.async_copy(x_hbm.at[pl.ds(base + goff[g], glen[g])],
                             idx[g], sem_i)
            for g in range(4)]
        pltpu.sync_copy(bias_hbm, bias_v)

        def tsrc(k):
            return table_hbm.at[pl.ds(sid * share + k * piece, piece)]

        def tdst(k):
            return tbl_s.at[pl.ds(sid * share + k * piece, piece)]

        h0 = pltpu.async_copy(tsrc(0), stage_a, sem_ha)
        h1 = pltpu.async_copy(tsrc(1), stage_b, sem_hb)
        h0.wait()
        s0 = pltpu.async_copy(stage_a, tdst(0), sem_sa)
        h1.wait()
        s1 = pltpu.async_copy(stage_b, tdst(1), sem_sb)
        s0.wait()
        h2 = pltpu.async_copy(tsrc(2), stage_a, sem_ha)
        s1.wait()
        h3 = pltpu.async_copy(tsrc(3), stage_b, sem_hb)
        h2.wait()
        s2 = pltpu.async_copy(stage_a, tdst(2), sem_sa)
        h3.wait()
        s3 = pltpu.async_copy(stage_b, tdst(3), sem_sb)
        s2.wait()
        h4 = pltpu.async_copy(tsrc(4), stage_a, sem_ha)
        h4.wait()
        s4 = pltpu.async_copy(stage_a, tdst(4), sem_sa)

        for c in icopies:
            c.wait()

        def add_off(i, _):
            j = pl.multiple_of(i * _L, _L)
            for g in range(4):
                for f in range(fcuts[g], fcuts[g + 1]):
                    if f == 0:
                        continue
                    k = pl.ds((f - fcuts[g]) * rpt + j, _L)
                    idx[g][k] = idx[g][k] + f * _FIELD_SIZE
            return 0

        lax.fori_loop(0, n_slices, add_off, 0)

        s3.wait()
        s4.wait()
        plsc.subcore_barrier()

        gcopies = [pltpu.async_copy(tbl_s.at[idx[g]], rows[g], sem_g)
                   for g in range(4)]
        for c in gcopies:
            c.wait()

        def reduce_rows(i, _):
            j = pl.multiple_of(i * _L, _L)
            acc = bias_v[...]
            for g in range(4):
                for f in range(fcnt[g]):
                    acc = acc + rows[g][pl.ds(f * rpt + j, _L)]
            out_v[pl.ds(j, _L)] = acc
            return 0

        lax.fori_loop(0, n_slices, reduce_rows, 0)

        pltpu.sync_copy(out_v, out_hbm.at[pl.ds(wid * rpt, rpt)])

    return body(x_prep, table_flat, bias_b)


def kernel(x, table, bias):
    B, F = x.shape
    x_prep = (x.astype(jnp.int32)
              .reshape(_NW, B // _NW, F)
              .transpose(0, 2, 1)
              .reshape(-1))
    table_flat = table.reshape(-1)
    bias_b = jnp.broadcast_to(bias.astype(jnp.float32), (_L,))
    out = _sc_lookup_sum(x_prep, table_flat, bias_b, B, F)
    return out.reshape(B, 1)

# --- scband reference (transcript-rebuilt; emitter-appended) ---
"""Pipeline reference for scband-features-linear-6047313953050 (READ-ONLY COPY).

The authoritative reference and input builder live on the scoring server;
editing this copy changes nothing except your own understanding.
"""

import jax, jax.numpy as jnp
import numpy as np

FIELD_DIMS = [40000] * 26
OUTPUT_DIM = 1
OFFSETS = jnp.asarray(np.array((0, *np.cumsum(FIELD_DIMS)[:-1]), dtype=np.int64))


def setup_inputs(seed: int = 0) -> dict:
    key = jax.random.key(seed)
    k1, k2 = jax.random.split(key)
    x = jax.random.randint(k1, (16384, 26), 0, 40000, dtype=jnp.int64)
    total = sum(FIELD_DIMS)
    table = jax.random.normal(k2, (total, OUTPUT_DIM), dtype=jnp.float32) * 0.01
    bias = jnp.zeros((OUTPUT_DIM,), dtype=jnp.float32)
    return {"x": x, "table": table, "bias": bias}


def reference(x, table, bias):
    # x: int64[B, F]; add per-field offsets to index into the concatenated table
    idx = x + OFFSETS[None, :]
    emb = jnp.take(table, idx, axis=0)  # [B, F, output_dim]
    return jnp.sum(emb, axis=1) + bias  # [B, output_dim]

if __name__ == "__main__":
    import jax
    _d = setup_inputs()
    print(jax.jit(kernel)(*tuple(_d.values())))

</pallas_src>

<mosaic_0001>
#map = affine_map<(d0, d1) -> (0)>
module attributes {stable_mosaic.version = 14 : i64} {
  func.func @body(%arg0: i32, %arg1: i32, %arg2: memref<425984xi32, #tpu.memory_space<hbm>>, %arg3: memref<1040000xf32, #tpu.memory_space<hbm>>, %arg4: memref<16xf32, #tpu.memory_space<hbm>>, %arg5: memref<16384xf32, #tpu.memory_space<hbm>>, %arg6: memref<1040000xf32, #tpu.memory_space<vmem_shared>>, %arg7: memref<13000xf32, #tpu.memory_space<vmem>>, %arg8: memref<13000xf32, #tpu.memory_space<vmem>>, %arg9: memref<3584xi32, #tpu.memory_space<vmem>>, %arg10: memref<3072xi32, #tpu.memory_space<vmem>>, %arg11: memref<3584xi32, #tpu.memory_space<vmem>>, %arg12: memref<3072xi32, #tpu.memory_space<vmem>>, %arg13: memref<3584xf32, #tpu.memory_space<vmem>>, %arg14: memref<3072xf32, #tpu.memory_space<vmem>>, %arg15: memref<3584xf32, #tpu.memory_space<vmem>>, %arg16: memref<3072xf32, #tpu.memory_space<vmem>>, %arg17: memref<512xf32, #tpu.memory_space<vmem>>, %arg18: memref<16xf32, #tpu.memory_space<vmem>>, %arg19: memref<!tpu.dma_semaphore, #tpu.memory_space<semaphore_mem>>, %arg20: memref<!tpu.dma_semaphore, #tpu.memory_space<semaphore_mem>>, %arg21: memref<!tpu.dma_semaphore, #tpu.memory_space<semaphore_mem>>, %arg22: memref<!tpu.dma_semaphore, #tpu.memory_space<semaphore_mem>>, %arg23: memref<!tpu.dma_semaphore, #tpu.memory_space<semaphore_mem>>, %arg24: memref<!tpu.dma_semaphore, #tpu.memory_space<semaphore_mem>>) attributes {dimension_semantics = [#tpu.dimension_semantics<core_parallel>, #tpu.dimension_semantics<subcore_parallel>], iteration_bounds = array<i64: 2, 16>, scalar_prefetch = 0 : i64, scratch_operands = 19 : i64, tpu.core_type = #tpu.core_type<sc_vector_subcore>, window_params = [{transform_indices = #map}, {transform_indices = #map}, {transform_indices = #map}, {transform_indices = #map}]} {
    %mul3A = arith.constant 2 : i32
    %mul3A_0 = arith.muli %arg1, %mul3A : i32
    %add3A = arith.addi %mul3A_0, %arg0 : i32
    %mul3A_1 = arith.constant 13312 : i32
    %mul3A_2 = arith.muli %add3A, %mul3A_1 : i32
    %add3A_3 = arith.constant 0 : i32
    %add3A_4 = arith.addi %mul3A_2, %add3A_3 : i32
    %dma_start3A = tpu.memref_slice %arg2[%add3A_4] : memref<425984xi32, #tpu.memory_space<hbm>> -> memref<3584xi32, #tpu.memory_space<hbm>>
    %dma_start3A_5 = tpu.memref_slice %arg2[%add3A_4] : memref<425984xi32, #tpu.memory_space<hbm>> -> memref<3584xi32, #tpu.memory_space<hbm>>
    tpu.enqueue_dma source(%dma_start3A_5 : memref<3584xi32, #tpu.memory_space<hbm>>) target(%arg9 : memref<3584xi32, #tpu.memory_space<vmem>>) target_semaphore(%arg19 : memref<!tpu.dma_semaphore, #tpu.memory_space<semaphore_mem>>)
    %add3A_6 = arith.constant 3584 : i32
    %add3A_7 = arith.addi %mul3A_2, %add3A_6 : i32
    %dma_start3A_8 = tpu.memref_slice %arg2[%add3A_7] : memref<425984xi32, #tpu.memory_space<hbm>> -> memref<3072xi32, #tpu.memory_space<hbm>>
    %dma_start3A_9 = tpu.memref_slice %arg2[%add3A_7] : memref<425984xi32, #tpu.memory_space<hbm>> -> memref<3072xi32, #tpu.memory_space<hbm>>
    tpu.enqueue_dma source(%dma_start3A_9 : memref<3072xi32, #tpu.memory_space<hbm>>) target(%arg10 : memref<3072xi32, #tpu.memory_space<vmem>>) target_semaphore(%arg19 : memref<!tpu.dma_semaphore, #tpu.memory_space<semaphore_mem>>)
    %add3A_10 = arith.constant 6656 : i32
    %add3A_11 = arith.addi %mul3A_2, %add3A_10 : i32
    %dma_start3A_12 = tpu.memref_slice %arg2[%add3A_11] : memref<425984xi32, #tpu.memory_space<hbm>> -> memref<3584xi32, #tpu.memory_space<hbm>>
    %dma_start3A_13 = tpu.memref_slice %arg2[%add3A_11] : memref<425984xi32, #tpu.memory_space<hbm>> -> memref<3584xi32, #tpu.memory_space<hbm>>
    tpu.enqueue_dma source(%dma_start3A_13 : memref<3584xi32, #tpu.memory_space<hbm>>) target(%arg11 : memref<3584xi32, #tpu.memory_space<vmem>>) target_semaphore(%arg19 : memref<!tpu.dma_semaphore, #tpu.memory_space<semaphore_mem>>)
    %add3A_14 = arith.constant 10240 : i32
    %add3A_15 = arith.addi %mul3A_2, %add3A_14 : i32
    %dma_start3A_16 = tpu.memref_slice %arg2[%add3A_15] : memref<425984xi32, #tpu.memory_space<hbm>> -> memref<3072xi32, #tpu.memory_space<hbm>>
    %dma_start3A_17 = tpu.memref_slice %arg2[%add3A_15] : memref<425984xi32, #tpu.memory_space<hbm>> -> memref<3072xi32, #tpu.memory_space<hbm>>
    tpu.enqueue_dma source(%dma_start3A_17 : memref<3072xi32, #tpu.memory_space<hbm>>) target(%arg12 : memref<3072xi32, #tpu.memory_space<vmem>>) target_semaphore(%arg19 : memref<!tpu.dma_semaphore, #tpu.memory_space<semaphore_mem>>)
    "tpu.region"() ({
      %run_scoped3A = tpu.sem_alloc : memref<!tpu.dma_semaphore, #tpu.memory_space<semaphore_mem>>
      tpu.enqueue_dma source(%arg4 : memref<16xf32, #tpu.memory_space<hbm>>) target(%arg18 : memref<16xf32, #tpu.memory_space<vmem>>) target_semaphore(%run_scoped3A : memref<!tpu.dma_semaphore, #tpu.memory_space<semaphore_mem>>)
      tpu.wait_dma2 semaphore(%run_scoped3A : memref<!tpu.dma_semaphore, #tpu.memory_space<semaphore_mem>>) src(%arg4 : memref<16xf32, #tpu.memory_space<hbm>>) dst(%arg18 : memref<16xf32, #tpu.memory_space<vmem>>)
      tpu.yield
    }) : () -> ()
    %mul3A_18 = arith.constant 65000 : i32
    %mul3A_19 = arith.muli %arg1, %mul3A_18 : i32
    %add3A_20 = arith.constant 0 : i32
    %add3A_21 = arith.addi %mul3A_19, %add3A_20 : i32
    %dma_start3A_22 = tpu.memref_slice %arg3[%add3A_21] : memref<1040000xf32, #tpu.memory_space<hbm>> -> memref<13000xf32, #tpu.memory_space<hbm>>
    %dma_start3A_23 = tpu.memref_slice %arg3[%add3A_21] : memref<1040000xf32, #tpu.memory_space<hbm>> -> memref<13000xf32, #tpu.memory_space<hbm>>
    tpu.enqueue_dma source(%dma_start3A_23 : memref<13000xf32, #tpu.memory_space<hbm>>) target(%arg7 : memref<13000xf32, #tpu.memory_space<vmem>>) target_semaphore(%arg20 : memref<!tpu.dma_semaphore, #tpu.memory_space<semaphore_mem>>)
    %mul3A_24 = arith.constant 65000 : i32
    %mul3A_25 = arith.muli %arg1, %mul3A_24 : i32
    %add3A_26 = arith.constant 13000 : i32
    %add3A_27 = arith.addi %mul3A_25, %add3A_26 : i32
    %dma_start3A_28 = tpu.memref_slice %arg3[%add3A_27] : memref<1040000xf32, #tpu.memory_space<hbm>> -> memref<13000xf32, #tpu.memory_space<hbm>>
    %dma_start3A_29 = tpu.memref_slice %arg3[%add3A_27] : memref<1040000xf32, #tpu.memory_space<hbm>> -> memref<13000xf32, #tpu.memory_space<hbm>>
    tpu.enqueue_dma source(%dma_start3A_29 : memref<13000xf32, #tpu.memory_space<hbm>>) target(%arg8 : memref<13000xf32, #tpu.memory_space<vmem>>) target_semaphore(%arg21 : memref<!tpu.dma_semaphore, #tpu.memory_space<semaphore_mem>>)
    %dma_wait3A = tpu.memref_slice %arg3[%add3A_21] : memref<1040000xf32, #tpu.memory_space<hbm>> -> memref<13000xf32, #tpu.memory_space<hbm>>
    %dma_wait3A_30 = tpu.memref_slice %arg3[%add3A_21] : memref<1040000xf32, #tpu.memory_space<hbm>> -> memref<13000xf32, #tpu.memory_space<hbm>>
    tpu.wait_dma2 semaphore(%arg20 : memref<!tpu.dma_semaphore, #tpu.memory_space<semaphore_mem>>) src(%dma_wait3A_30 : memref<13000xf32, #tpu.memory_space<hbm>>) dst(%arg7 : memref<13000xf32, #tpu.memory_space<vmem>>)
    %mul3A_31 = arith.constant 65000 : i32
    %mul3A_32 = arith.muli %arg1, %mul3A_31 : i32
    %add3A_33 = arith.constant 0 : i32
    %add3A_34 = arith.addi %mul3A_32, %add3A_33 : i32
    %dma_start3A_35 = tpu.memref_slice %arg6[%add3A_34] : memref<1040000xf32, #tpu.memory_space<vmem_shared>> -> memref<13000xf32, #tpu.memory_space<vmem_shared>>
    %dma_start3A_36 = tpu.memref_slice %arg6[%add3A_34] : memref<1040000xf32, #tpu.memory_space<vmem_shared>> -> memref<13000xf32, #tpu.memory_space<vmem_shared>>
    tpu.enqueue_dma source(%arg7 : memref<13000xf32, #tpu.memory_space<vmem>>) target(%dma_start3A_36 : memref<13000xf32, #tpu.memory_space<vmem_shared>>) target_semaphore(%arg22 : memref<!tpu.dma_semaphore, #tpu.memory_space<semaphore_mem>>)
    %dma_wait3A_37 = tpu.memref_slice %arg3[%add3A_27] : memref<1040000xf32, #tpu.memory_space<hbm>> -> memref<13000xf32, #tpu.memory_space<hbm>>
    %dma_wait3A_38 = tpu.memref_slice %arg3[%add3A_27] : memref<1040000xf32, #tpu.memory_space<hbm>> -> memref<13000xf32, #tpu.memory_space<hbm>>
    tpu.wait_dma2 semaphore(%arg21 : memref<!tpu.dma_semaphore, #tpu.memory_space<semaphore_mem>>) src(%dma_wait3A_38 : memref<13000xf32, #tpu.memory_space<hbm>>) dst(%arg8 : memref<13000xf32, #tpu.memory_space<vmem>>)
    %mul3A_39 = arith.constant 65000 : i32
    %mul3A_40 = arith.muli %arg1, %mul3A_39 : i32
    %add3A_41 = arith.constant 13000 : i32
    %add3A_42 = arith.addi %mul3A_40, %add3A_41 : i32
    %dma_start3A_43 = tpu.memref_slice %arg6[%add3A_42] : memref<1040000xf32, #tpu.memory_space<vmem_shared>> -> memref<13000xf32, #tpu.memory_space<vmem_shared>>
    %dma_start3A_44 = tpu.memref_slice %arg6[%add3A_42] : memref<1040000xf32, #tpu.memory_space<vmem_shared>> -> memref<13000xf32, #tpu.memory_space<vmem_shared>>
    tpu.enqueue_dma source(%arg8 : memref<13000xf32, #tpu.memory_space<vmem>>) target(%dma_start3A_44 : memref<13000xf32, #tpu.memory_space<vmem_shared>>) target_semaphore(%arg23 : memref<!tpu.dma_semaphore, #tpu.memory_space<semaphore_mem>>)
    %dma_wait3A_45 = tpu.memref_slice %arg6[%add3A_34] : memref<1040000xf32, #tpu.memory_space<vmem_shared>> -> memref<13000xf32, #tpu.memory_space<vmem_shared>>
    %dma_wait3A_46 = tpu.memref_slice %arg6[%add3A_34] : memref<1040000xf32, #tpu.memory_space<vmem_shared>> -> memref<13000xf32, #tpu.memory_space<vmem_shared>>
    tpu.wait_dma2 semaphore(%arg22 : memref<!tpu.dma_semaphore, #tpu.memory_space<semaphore_mem>>) src(%arg7 : memref<13000xf32, #tpu.memory_space<vmem>>) dst(%dma_wait3A_46 : memref<13000xf32, #tpu.memory_space<vmem_shared>>)
    %mul3A_47 = arith.constant 65000 : i32
    %mul3A_48 = arith.muli %arg1, %mul3A_47 : i32
    %add3A_49 = arith.constant 26000 : i32
    %add3A_50 = arith.addi %mul3A_48, %add3A_49 : i32
    %dma_start3A_51 = tpu.memref_slice %arg3[%add3A_50] : memref<1040000xf32, #tpu.memory_space<hbm>> -> memref<13000xf32, #tpu.memory_space<hbm>>
    %dma_start3A_52 = tpu.memref_slice %arg3[%add3A_50] : memref<1040000xf32, #tpu.memory_space<hbm>> -> memref<13000xf32, #tpu.memory_space<hbm>>
    tpu.enqueue_dma source(%dma_start3A_52 : memref<13000xf32, #tpu.memory_space<hbm>>) target(%arg7 : memref<13000xf32, #tpu.memory_space<vmem>>) target_semaphore(%arg20 : memref<!tpu.dma_semaphore, #tpu.memory_space<semaphore_mem>>)
    %dma_wait3A_53 = tpu.memref_slice %arg6[%add3A_42] : memref<1040000xf32, #tpu.memory_space<vmem_shared>> -> memref<13000xf32, #tpu.memory_space<vmem_shared>>
    %dma_wait3A_54 = tpu.memref_slice %arg6[%add3A_42] : memref<1040000xf32, #tpu.memory_space<vmem_shared>> -> memref<13000xf32, #tpu.memory_space<vmem_shared>>
    tpu.wait_dma2 semaphore(%arg23 : memref<!tpu.dma_semaphore, #tpu.memory_space<semaphore_mem>>) src(%arg8 : memref<13000xf32, #tpu.memory_space<vmem>>) dst(%dma_wait3A_54 : memref<13000xf32, #tpu.memory_space<vmem_shared>>)
    %mul3A_55 = arith.constant 65000 : i32
    %mul3A_56 = arith.muli %arg1, %mul3A_55 : i32
    %add3A_57 = arith.constant 39000 : i32
    %add3A_58 = arith.addi %mul3A_56, %add3A_57 : i32
    %dma_start3A_59 = tpu.memref_slice %arg3[%add3A_58] : memref<1040000xf32, #tpu.memory_space<hbm>> -> memref<13000xf32, #tpu.memory_space<hbm>>
    %dma_start3A_60 = tpu.memref_slice %arg3[%add3A_58] : memref<1040000xf32, #tpu.memory_space<hbm>> -> memref<13000xf32, #tpu.memory_space<hbm>>
    tpu.enqueue_dma source(%dma_start3A_60 : memref<13000xf32, #tpu.memory_space<hbm>>) target(%arg8 : memref<13000xf32, #tpu.memory_space<vmem>>) target_semaphore(%arg21 : memref<!tpu.dma_semaphore, #tpu.memory_space<semaphore_mem>>)
    %dma_wait3A_61 = tpu.memref_slice %arg3[%add3A_50] : memref<1040000xf32, #tpu.memory_space<hbm>> -> memref<13000xf32, #tpu.memory_space<hbm>>
    %dma_wait3A_62 = tpu.memref_slice %arg3[%add3A_50] : memref<1040000xf32, #tpu.memory_space<hbm>> -> memref<13000xf32, #tpu.memory_space<hbm>>
    tpu.wait_dma2 semaphore(%arg20 : memref<!tpu.dma_semaphore, #tpu.memory_space<semaphore_mem>>) src(%dma_wait3A_62 : memref<13000xf32, #tpu.memory_space<hbm>>) dst(%arg7 : memref<13000xf32, #tpu.memory_space<vmem>>)
    %mul3A_63 = arith.constant 65000 : i32
    %mul3A_64 = arith.muli %arg1, %mul3A_63 : i32
    %add3A_65 = arith.constant 26000 : i32
    %add3A_66 = arith.addi %mul3A_64, %add3A_65 : i32
    %dma_start3A_67 = tpu.memref_slice %arg6[%add3A_66] : memref<1040000xf32, #tpu.memory_space<vmem_shared>> -> memref<13000xf32, #tpu.memory_space<vmem_shared>>
    %dma_start3A_68 = tpu.memref_slice %arg6[%add3A_66] : memref<1040000xf32, #tpu.memory_space<vmem_shared>> -> memref<13000xf32, #tpu.memory_space<vmem_shared>>
    tpu.enqueue_dma source(%arg7 : memref<13000xf32, #tpu.memory_space<vmem>>) target(%dma_start3A_68 : memref<13000xf32, #tpu.memory_space<vmem_shared>>) target_semaphore(%arg22 : memref<!tpu.dma_semaphore, #tpu.memory_space<semaphore_mem>>)
    %dma_wait3A_69 = tpu.memref_slice %arg3[%add3A_58] : memref<1040000xf32, #tpu.memory_space<hbm>> -> memref<13000xf32, #tpu.memory_space<hbm>>
    %dma_wait3A_70 = tpu.memref_slice %arg3[%add3A_58] : memref<1040000xf32, #tpu.memory_space<hbm>> -> memref<13000xf32, #tpu.memory_space<hbm>>
    tpu.wait_dma2 semaphore(%arg21 : memref<!tpu.dma_semaphore, #tpu.memory_space<semaphore_mem>>) src(%dma_wait3A_70 : memref<13000xf32, #tpu.memory_space<hbm>>) dst(%arg8 : memref<13000xf32, #tpu.memory_space<vmem>>)
    %mul3A_71 = arith.constant 65000 : i32
    %mul3A_72 = arith.muli %arg1, %mul3A_71 : i32
    %add3A_73 = arith.constant 39000 : i32
    %add3A_74 = arith.addi %mul3A_72, %add3A_73 : i32
    %dma_start3A_75 = tpu.memref_slice %arg6[%add3A_74] : memref<1040000xf32, #tpu.memory_space<vmem_shared>> -> memref<13000xf32, #tpu.memory_space<vmem_shared>>
    %dma_start3A_76 = tpu.memref_slice %arg6[%add3A_74] : memref<1040000xf32, #tpu.memory_space<vmem_shared>> -> memref<13000xf32, #tpu.memory_space<vmem_shared>>
    tpu.enqueue_dma source(%arg8 : memref<13000xf32, #tpu.memory_space<vmem>>) target(%dma_start3A_76 : memref<13000xf32, #tpu.memory_space<vmem_shared>>) target_semaphore(%arg23 : memref<!tpu.dma_semaphore, #tpu.memory_space<semaphore_mem>>)
    %dma_wait3A_77 = tpu.memref_slice %arg6[%add3A_66] : memref<1040000xf32, #tpu.memory_space<vmem_shared>> -> memref<13000xf32, #tpu.memory_space<vmem_shared>>
    %dma_wait3A_78 = tpu.memref_slice %arg6[%add3A_66] : memref<1040000xf32, #tpu.memory_space<vmem_shared>> -> memref<13000xf32, #tpu.memory_space<vmem_shared>>
    tpu.wait_dma2 semaphore(%arg22 : memref<!tpu.dma_semaphore, #tpu.memory_space<semaphore_mem>>) src(%arg7 : memref<13000xf32, #tpu.memory_space<vmem>>) dst(%dma_wait3A_78 : memref<13000xf32, #tpu.memory_space<vmem_shared>>)
    %mul3A_79 = arith.constant 65000 : i32
    %mul3A_80 = arith.muli %arg1, %mul3A_79 : i32
    %add3A_81 = arith.constant 52000 : i32
    %add3A_82 = arith.addi %mul3A_80, %add3A_81 : i32
    %dma_start3A_83 = tpu.memref_slice %arg3[%add3A_82] : memref<1040000xf32, #tpu.memory_space<hbm>> -> memref<13000xf32, #tpu.memory_space<hbm>>
    %dma_start3A_84 = tpu.memref_slice %arg3[%add3A_82] : memref<1040000xf32, #tpu.memory_space<hbm>> -> memref<13000xf32, #tpu.memory_space<hbm>>
    tpu.enqueue_dma source(%dma_start3A_84 : memref<13000xf32, #tpu.memory_space<hbm>>) target(%arg7 : memref<13000xf32, #tpu.memory_space<vmem>>) target_semaphore(%arg20 : memref<!tpu.dma_semaphore, #tpu.memory_space<semaphore_mem>>)
    %dma_wait3A_85 = tpu.memref_slice %arg3[%add3A_82] : memref<1040000xf32, #tpu.memory_space<hbm>> -> memref<13000xf32, #tpu.memory_space<hbm>>
    %dma_wait3A_86 = tpu.memref_slice %arg3[%add3A_82] : memref<1040000xf32, #tpu.memory_space<hbm>> -> memref<13000xf32, #tpu.memory_space<hbm>>
    tpu.wait_dma2 semaphore(%arg20 : memref<!tpu.dma_semaphore, #tpu.memory_space<semaphore_mem>>) src(%dma_wait3A_86 : memref<13000xf32, #tpu.memory_space<hbm>>) dst(%arg7 : memref<13000xf32, #tpu.memory_space<vmem>>)
    %mul3A_87 = arith.constant 65000 : i32
    %mul3A_88 = arith.muli %arg1, %mul3A_87 : i32
    %add3A_89 = arith.constant 52000 : i32
    %add3A_90 = arith.addi %mul3A_88, %add3A_89 : i32
    %dma_start3A_91 = tpu.memref_slice %arg6[%add3A_90] : memref<1040000xf32, #tpu.memory_space<vmem_shared>> -> memref<13000xf32, #tpu.memory_space<vmem_shared>>
    %dma_start3A_92 = tpu.memref_slice %arg6[%add3A_90] : memref<1040000xf32, #tpu.memory_space<vmem_shared>> -> memref<13000xf32, #tpu.memory_space<vmem_shared>>
    tpu.enqueue_dma source(%arg7 : memref<13000xf32, #tpu.memory_space<vmem>>) target(%dma_start3A_92 : memref<13000xf32, #tpu.memory_space<vmem_shared>>) target_semaphore(%arg22 : memref<!tpu.dma_semaphore, #tpu.memory_space<semaphore_mem>>)
    %dma_wait3A_93 = tpu.memref_slice %arg2[%add3A_4] : memref<425984xi32, #tpu.memory_space<hbm>> -> memref<3584xi32, #tpu.memory_space<hbm>>
    %dma_wait3A_94 = tpu.memref_slice %arg2[%add3A_4] : memref<425984xi32, #tpu.memory_space<hbm>> -> memref<3584xi32, #tpu.memory_space<hbm>>
    tpu.wait_dma2 semaphore(%arg19 : memref<!tpu.dma_semaphore, #tpu.memory_space<semaphore_mem>>) src(%dma_wait3A_94 : memref<3584xi32, #tpu.memory_space<hbm>>) dst(%arg9 : memref<3584xi32, #tpu.memory_space<vmem>>)
    %dma_wait3A_95 = tpu.memref_slice %arg2[%add3A_7] : memref<425984xi32, #tpu.memory_space<hbm>> -> memref<3072xi32, #tpu.memory_space<hbm>>
    %dma_wait3A_96 = tpu.memref_slice %arg2[%add3A_7] : memref<425984xi32, #tpu.memory_space<hbm>> -> memref<3072xi32, #tpu.memory_space<hbm>>
    tpu.wait_dma2 semaphore(%arg19 : memref<!tpu.dma_semaphore, #tpu.memory_space<semaphore_mem>>) src(%dma_wait3A_96 : memref<3072xi32, #tpu.memory_space<hbm>>) dst(%arg10 : memref<3072xi32, #tpu.memory_space<vmem>>)
    %dma_wait3A_97 = tpu.memref_slice %arg2[%add3A_11] : memref<425984xi32, #tpu.memory_space<hbm>> -> memref<3584xi32, #tpu.memory_space<hbm>>
    %dma_wait3A_98 = tpu.memref_slice %arg2[%add3A_11] : memref<425984xi32, #tpu.memory_space<hbm>> -> memref<3584xi32, #tpu.memory_space<hbm>>
    tpu.wait_dma2 semaphore(%arg19 : memref<!tpu.dma_semaphore, #tpu.memory_space<semaphore_mem>>) src(%dma_wait3A_98 : memref<3584xi32, #tpu.memory_space<hbm>>) dst(%arg11 : memref<3584xi32, #tpu.memory_space<vmem>>)
    %dma_wait3A_99 = tpu.memref_slice %arg2[%add3A_15] : memref<425984xi32, #tpu.memory_space<hbm>> -> memref<3072xi32, #tpu.memory_space<hbm>>
    %dma_wait3A_100 = tpu.memref_slice %arg2[%add3A_15] : memref<425984xi32, #tpu.memory_space<hbm>> -> memref<3072xi32, #tpu.memory_space<hbm>>
    tpu.wait_dma2 semaphore(%arg19 : memref<!tpu.dma_semaphore, #tpu.memory_space<semaphore_mem>>) src(%dma_wait3A_100 : memref<3072xi32, #tpu.memory_space<hbm>>) dst(%arg12 : memref<3072xi32, #tpu.memory_space<vmem>>)
    %scan3A = arith.constant 0 : i32
    %scan3A_101 = arith.constant 0 : i32
    %scan3A_102 = arith.constant 32 : i32
    %scan3A_103 = arith.addi %scan3A_101, %scan3A_102 : i32
    %scan3A_104 = arith.constant 1 : i32
    %scan3A_105 = scf.for %scan3A_136 = %scan3A_101 to %scan3A_103 step %scan3A_104 iter_args(%scan3A_137 = %scan3A) -> (i32)  : i32 {
      %mul3A_138 = arith.constant 16 : i32
      %mul3A_139 = arith.muli %scan3A_136, %mul3A_138 : i32
      %multiple_of3A = tpu.assume_multiple %mul3A_139, 16 : i32
      %add3A_140 = arith.constant 512 : i32
      %add3A_141 = arith.addi %add3A_140, %multiple_of3A : i32
      %get3A = arith.index_cast %add3A_141 : i32 to index
      %get3A_142 = tpu.vector_load %arg9[%get3A] {strides = array<i32>} : memref<3584xi32, #tpu.memory_space<vmem>>, vector<16xi32>,
      %get3A_143 = vector.shape_cast %get3A_142 : vector<16xi32> to vector<16xi32>
      %add3A_144 = arith.constant 40000 : i32
      %add3A_145 = vector.broadcast %add3A_144 : i32 to vector<16xi32>
      %add3A_146 = arith.addi %get3A_143, %add3A_145 : vector<16xi32>
      %swap3A = arith.index_cast %add3A_141 : i32 to index
      %swap3A_147 = tpu.vector_load %arg9[%swap3A] {strides = array<i32>} : memref<3584xi32, #tpu.memory_space<vmem>>, vector<16xi32>,
      %swap3A_148 = vector.shape_cast %swap3A_147 : vector<16xi32> to vector<16xi32>
      %swap3A_149 = vector.shape_cast %add3A_146 : vector<16xi32> to vector<16xi32>
      tpu.vector_store %arg9[%swap3A], %swap3A_149 {strides = array<i32>} : memref<3584xi32, #tpu.memory_space<vmem>>, vector<16xi32>,
      %add3A_150 = arith.constant 1024 : i32
      %add3A_151 = arith.addi %add3A_150, %multiple_of3A : i32
      %get3A_152 = arith.index_cast %add3A_151 : i32 to index
      %get3A_153 = tpu.vector_load %arg9[%get3A_152] {strides = array<i32>} : memref<3584xi32, #tpu.memory_space<vmem>>, vector<16xi32>,
      %get3A_154 = vector.shape_cast %get3A_153 : vector<16xi32> to vector<16xi32>
      %add3A_155 = arith.constant 80000 : i32
      %add3A_156 = vector.broadcast %add3A_155 : i32 to vector<16xi32>
      %add3A_157 = arith.addi %get3A_154, %add3A_156 : vector<16xi32>
      %swap3A_158 = arith.index_cast %add3A_151 : i32 to index
      %swap3A_159 = tpu.vector_load %arg9[%swap3A_158] {strides = array<i32>} : memref<3584xi32, #tpu.memory_space<vmem>>, vector<16xi32>,
      %swap3A_160 = vector.shape_cast %swap3A_159 : vector<16xi32> to vector<16xi32>
      %swap3A_161 = vector.shape_cast %add3A_157 : vector<16xi32> to vector<16xi32>
      tpu.vector_store %arg9[%swap3A_158], %swap3A_161 {strides = array<i32>} : memref<3584xi32, #tpu.memory_space<vmem>>, vector<16xi32>,
      %add3A_162 = arith.constant 1536 : i32
      %add3A_163 = arith.addi %add3A_162, %multiple_of3A : i32
      %get3A_164 = arith.index_cast %add3A_163 : i32 to index
      %get3A_165 = tpu.vector_load %arg9[%get3A_164] {strides = array<i32>} : memref<3584xi32, #tpu.memory_space<vmem>>, vector<16xi32>,
      %get3A_166 = vector.shape_cast %get3A_165 : vector<16xi32> to vector<16xi32>
      %add3A_167 = arith.constant 120000 : i32
      %add3A_168 = vector.broadcast %add3A_167 : i32 to vector<16xi32>
      %add3A_169 = arith.addi %get3A_166, %add3A_168 : vector<16xi32>
      %swap3A_170 = arith.index_cast %add3A_163 : i32 to index
      %swap3A_171 = tpu.vector_load %arg9[%swap3A_170] {strides = array<i32>} : memref<3584xi32, #tpu.memory_space<vmem>>, vector<16xi32>,
      %swap3A_172 = vector.shape_cast %swap3A_171 : vector<16xi32> to vector<16xi32>
      %swap3A_173 = vector.shape_cast %add3A_169 : vector<16xi32> to vector<16xi32>
      tpu.vector_store %arg9[%swap3A_170], %swap3A_173 {strides = array<i32>} : memref<3584xi32, #tpu.memory_space<vmem>>, vector<16xi32>,
      %add3A_174 = arith.constant 2048 : i32
      %add3A_175 = arith.addi %add3A_174, %multiple_of3A : i32
      %get3A_176 = arith.index_cast %add3A_175 : i32 to index
      %get3A_177 = tpu.vector_load %arg9[%get3A_176] {strides = array<i32>} : memref<3584xi32, #tpu.memory_space<vmem>>, vector<16xi32>,
      %get3A_178 = vector.shape_cast %get3A_177 : vector<16xi32> to vector<16xi32>
      %add3A_179 = arith.constant 160000 : i32
      %add3A_180 = vector.broadcast %add3A_179 : i32 to vector<16xi32>
      %add3A_181 = arith.addi %get3A_178, %add3A_180 : vector<16xi32>
      %swap3A_182 = arith.index_cast %add3A_175 : i32 to index
      %swap3A_183 = tpu.vector_load %arg9[%swap3A_182] {strides = array<i32>} : memref<3584xi32, #tpu.memory_space<vmem>>, vector<16xi32>,
      %swap3A_184 = vector.shape_cast %swap3A_183 : vector<16xi32> to vector<16xi32>
      %swap3A_185 = vector.shape_cast %add3A_181 : vector<16xi32> to vector<16xi32>
      tpu.vector_store %arg9[%swap3A_182], %swap3A_185 {strides = array<i32>} : memref<3584xi32, #tpu.memory_space<vmem>>, vector<16xi32>,
      %add3A_186 = arith.constant 2560 : i32
      %add3A_187 = arith.addi %add3A_186, %multiple_of3A : i32
      %get3A_188 = arith.index_cast %add3A_187 : i32 to index
      %get3A_189 = tpu.vector_load %arg9[%get3A_188] {strides = array<i32>} : memref<3584xi32, #tpu.memory_space<vmem>>, vector<16xi32>,
      %get3A_190 = vector.shape_cast %get3A_189 : vector<16xi32> to vector<16xi32>
      %add3A_191 = arith.constant 200000 : i32
      %add3A_192 = vector.broadcast %add3A_191 : i32 to vector<16xi32>
      %add3A_193 = arith.addi %get3A_190, %add3A_192 : vector<16xi32>
      %swap3A_194 = arith.index_cast %add3A_187 : i32 to index
      %swap3A_195 = tpu.vector_load %arg9[%swap3A_194] {strides = array<i32>} : memref<3584xi32, #tpu.memory_space<vmem>>, vector<16xi32>,
      %swap3A_196 = vector.shape_cast %swap3A_195 : vector<16xi32> to vector<16xi32>
      %swap3A_197 = vector.shape_cast %add3A_193 : vector<16xi32> to vector<16xi32>
      tpu.vector_store %arg9[%swap3A_194], %swap3A_197 {strides = array<i32>} : memref<3584xi32, #tpu.memory_space<vmem>>, vector<16xi32>,
      %add3A_198 = arith.constant 3072 : i32
      %add3A_199 = arith.addi %add3A_198, %multiple_of3A : i32
      %get3A_200 = arith.index_cast %add3A_199 : i32 to index
      %get3A_201 = tpu.vector_load %arg9[%get3A_200] {strides = array<i32>} : memref<3584xi32, #tpu.memory_space<vmem>>, vector<16xi32>,
      %get3A_202 = vector.shape_cast %get3A_201 : vector<16xi32> to vector<16xi32>
      %add3A_203 = arith.constant 240000 : i32
      %add3A_204 = vector.broadcast %add3A_203 : i32 to vector<16xi32>
      %add3A_205 = arith.addi %get3A_202, %add3A_204 : vector<16xi32>
      %swap3A_206 = arith.index_cast %add3A_199 : i32 to index
      %swap3A_207 = tpu.vector_load %arg9[%swap3A_206] {strides = array<i32>} : memref<3584xi32, #tpu.memory_space<vmem>>, vector<16xi32>,
      %swap3A_208 = vector.shape_cast %swap3A_207 : vector<16xi32> to vector<16xi32>
      %swap3A_209 = vector.shape_cast %add3A_205 : vector<16xi32> to vector<16xi32>
      tpu.vector_store %arg9[%swap3A_206], %swap3A_209 {strides = array<i32>} : memref<3584xi32, #tpu.memory_space<vmem>>, vector<16xi32>,
      %add3A_210 = arith.constant 0 : i32
      %add3A_211 = arith.addi %add3A_210, %multiple_of3A : i32
      %get3A_212 = arith.index_cast %add3A_211 : i32 to index
      %get3A_213 = tpu.vector_load %arg10[%get3A_212] {strides = array<i32>} : memref<3072xi32, #tpu.memory_space<vmem>>, vector<16xi32>,
      %get3A_214 = vector.shape_cast %get3A_213 : vector<16xi32> to vector<16xi32>
      %add3A_215 = arith.constant 280000 : i32
      %add3A_216 = vector.broadcast %add3A_215 : i32 to vector<16xi32>
      %add3A_217 = arith.addi %get3A_214, %add3A_216 : vector<16xi32>
      %swap3A_218 = arith.index_cast %add3A_211 : i32 to index
      %swap3A_219 = tpu.vector_load %arg10[%swap3A_218] {strides = array<i32>} : memref<3072xi32, #tpu.memory_space<vmem>>, vector<16xi32>,
      %swap3A_220 = vector.shape_cast %swap3A_219 : vector<16xi32> to vector<16xi32>
      %swap3A_221 = vector.shape_cast %add3A_217 : vector<16xi32> to vector<16xi32>
      tpu.vector_store %arg10[%swap3A_218], %swap3A_221 {strides = array<i32>} : memref<3072xi32, #tpu.memory_space<vmem>>, vector<16xi32>,
      %add3A_222 = arith.constant 512 : i32
      %add3A_223 = arith.addi %add3A_222, %multiple_of3A : i32
      %get3A_224 = arith.index_cast %add3A_223 : i32 to index
      %get3A_225 = tpu.vector_load %arg10[%get3A_224] {strides = array<i32>} : memref<3072xi32, #tpu.memory_space<vmem>>, vector<16xi32>,
      %get3A_226 = vector.shape_cast %get3A_225 : vector<16xi32> to vector<16xi32>
      %add3A_227 = arith.constant 320000 : i32
      %add3A_228 = vector.broadcast %add3A_227 : i32 to vector<16xi32>
      %add3A_229 = arith.addi %get3A_226, %add3A_228 : vector<16xi32>
      %swap3A_230 = arith.index_cast %add3A_223 : i32 to index
      %swap3A_231 = tpu.vector_load %arg10[%swap3A_230] {strides = array<i32>} : memref<3072xi32, #tpu.memory_space<vmem>>, vector<16xi32>,
      %swap3A_232 = vector.shape_cast %swap3A_231 : vector<16xi32> to vector<16xi32>
      %swap3A_233 = vector.shape_cast %add3A_229 : vector<16xi32> to vector<16xi32>
      tpu.vector_store %arg10[%swap3A_230], %swap3A_233 {strides = array<i32>} : memref<3072xi32, #tpu.memory_space<vmem>>, vector<16xi32>,
      %add3A_234 = arith.constant 1024 : i32
      %add3A_235 = arith.addi %add3A_234, %multiple_of3A : i32
      %get3A_236 = arith.index_cast %add3A_235 : i32 to index
      %get3A_237 = tpu.vector_load %arg10[%get3A_236] {strides = array<i32>} : memref<3072xi32, #tpu.memory_space<vmem>>, vector<16xi32>,
      %get3A_238 = vector.shape_cast %get3A_237 : vector<16xi32> to vector<16xi32>
      %add3A_239 = arith.constant 360000 : i32
      %add3A_240 = vector.broadcast %add3A_239 : i32 to vector<16xi32>
      %add3A_241 = arith.addi %get3A_238, %add3A_240 : vector<16xi32>
      %swap3A_242 = arith.index_cast %add3A_235 : i32 to index
      %swap3A_243 = tpu.vector_load %arg10[%swap3A_242] {strides = array<i32>} : memref<3072xi32, #tpu.memory_space<vmem>>, vector<16xi32>,
      %swap3A_244 = vector.shape_cast %swap3A_243 : vector<16xi32> to vector<16xi32>
      %swap3A_245 = vector.shape_cast %add3A_241 : vector<16xi32> to vector<16xi32>
      tpu.vector_store %arg10[%swap3A_242], %swap3A_245 {strides = array<i32>} : memref<3072xi32, #tpu.memory_space<vmem>>, vector<16xi32>,
      %add3A_246 = arith.constant 1536 : i32
      %add3A_247 = arith.addi %add3A_246, %multiple_of3A : i32
      %get3A_248 = arith.index_cast %add3A_247 : i32 to index
      %get3A_249 = tpu.vector_load %arg10[%get3A_248] {strides = array<i32>} : memref<3072xi32, #tpu.memory_space<vmem>>, vector<16xi32>,
      %get3A_250 = vector.shape_cast %get3A_249 : vector<16xi32> to vector<16xi32>
      %add3A_251 = arith.constant 400000 : i32
      %add3A_252 = vector.broadcast %add3A_251 : i32 to vector<16xi32>
      %add3A_253 = arith.addi %get3A_250, %add3A_252 : vector<16xi32>
      %swap3A_254 = arith.index_cast %add3A_247 : i32 to index
      %swap3A_255 = tpu.vector_load %arg10[%swap3A_254] {strides = array<i32>} : memref<3072xi32, #tpu.memory_space<vmem>>, vector<16xi32>,
      %swap3A_256 = vector.shape_cast %swap3A_255 : vector<16xi32> to vector<16xi32>
      %swap3A_257 = vector.shape_cast %add3A_253 : vector<16xi32> to vector<16xi32>
      tpu.vector_store %arg10[%swap3A_254], %swap3A_257 {strides = array<i32>} : memref<3072xi32, #tpu.memory_space<vmem>>, vector<16xi32>,
      %add3A_258 = arith.constant 2048 : i32
      %add3A_259 = arith.addi %add3A_258, %multiple_of3A : i32
      %get3A_260 = arith.index_cast %add3A_259 : i32 to index
      %get3A_261 = tpu.vector_load %arg10[%get3A_260] {strides = array<i32>} : memref<3072xi32, #tpu.memory_space<vmem>>, vector<16xi32>,
      %get3A_262 = vector.shape_cast %get3A_261 : vector<16xi32> to vector<16xi32>
      %add3A_263 = arith.constant 440000 : i32
      %add3A_264 = vector.broadcast %add3A_263 : i32 to vector<16xi32>
      %add3A_265 = arith.addi %get3A_262, %add3A_264 : vector<16xi32>
      %swap3A_266 = arith.index_cast %add3A_259 : i32 to index
      %swap3A_267 = tpu.vector_load %arg10[%swap3A_266] {strides = array<i32>} : memref<3072xi32, #tpu.memory_space<vmem>>, vector<16xi32>,
      %swap3A_268 = vector.shape_cast %swap3A_267 : vector<16xi32> to vector<16xi32>
      %swap3A_269 = vector.shape_cast %add3A_265 : vector<16xi32> to vector<16xi32>
      tpu.vector_store %arg10[%swap3A_266], %swap3A_269 {strides = array<i32>} : memref<3072xi32, #tpu.memory_space<vmem>>, vector<16xi32>,
      %add3A_270 = arith.constant 2560 : i32
      %add3A_271 = arith.addi %add3A_270, %multiple_of3A : i32
      %get3A_272 = arith.index_cast %add3A_271 : i32 to index
      %get3A_273 = tpu.vector_load %arg10[%get3A_272] {strides = array<i32>} : memref<3072xi32, #tpu.memory_space<vmem>>, vector<16xi32>,
      %get3A_274 = vector.shape_cast %get3A_273 : vector<16xi32> to vector<16xi32>
      %add3A_275 = arith.constant 480000 : i32
      %add3A_276 = vector.broadcast %add3A_275 : i32 to vector<16xi32>
      %add3A_277 = arith.addi %get3A_274, %add3A_276 : vector<16xi32>
      %swap3A_278 = arith.index_cast %add3A_271 : i32 to index
      %swap3A_279 = tpu.vector_load %arg10[%swap3A_278] {strides = array<i32>} : memref<3072xi32, #tpu.memory_space<vmem>>, vector<16xi32>,
      %swap3A_280 = vector.shape_cast %swap3A_279 : vector<16xi32> to vector<16xi32>
      %swap3A_281 = vector.shape_cast %add3A_277 : vector<16xi32> to vector<16xi32>
      tpu.vector_store %arg10[%swap3A_278], %swap3A_281 {strides = array<i32>} : memref<3072xi32, #tpu.memory_space<vmem>>, vector<16xi32>,
      %add3A_282 = arith.constant 0 : i32
      %add3A_283 = arith.addi %add3A_282, %multiple_of3A : i32
      %get3A_284 = arith.index_cast %add3A_283 : i32 to index
      %get3A_285 = tpu.vector_load %arg11[%get3A_284] {strides = array<i32>} : memref<3584xi32, #tpu.memory_space<vmem>>, vector<16xi32>,
      %get3A_286 = vector.shape_cast %get3A_285 : vector<16xi32> to vector<16xi32>
      %add3A_287 = arith.constant 520000 : i32
      %add3A_288 = vector.broadcast %add3A_287 : i32 to vector<16xi32>
      %add3A_289 = arith.addi %get3A_286, %add3A_288 : vector<16xi32>
      %swap3A_290 = arith.index_cast %add3A_283 : i32 to index
      %swap3A_291 = tpu.vector_load %arg11[%swap3A_290] {strides = array<i32>} : memref<3584xi32, #tpu.memory_space<vmem>>, vector<16xi32>,
      %swap3A_292 = vector.shape_cast %swap3A_291 : vector<16xi32> to vector<16xi32>
      %swap3A_293 = vector.shape_cast %add3A_289 : vector<16xi32> to vector<16xi32>
      tpu.vector_store %arg11[%swap3A_290], %swap3A_293 {strides = array<i32>} : memref<3584xi32, #tpu.memory_space<vmem>>, vector<16xi32>,
      %add3A_294 = arith.constant 512 : i32
      %add3A_295 = arith.addi %add3A_294, %multiple_of3A : i32
      %get3A_296 = arith.index_cast %add3A_295 : i32 to index
      %get3A_297 = tpu.vector_load %arg11[%get3A_296] {strides = array<i32>} : memref<3584xi32, #tpu.memory_space<vmem>>, vector<16xi32>,
      %get3A_298 = vector.shape_cast %get3A_297 : vector<16xi32> to vector<16xi32>
      %add3A_299 = arith.constant 560000 : i32
      %add3A_300 = vector.broadcast %add3A_299 : i32 to vector<16xi32>
      %add3A_301 = arith.addi %get3A_298, %add3A_300 : vector<16xi32>
      %swap3A_302 = arith.index_cast %add3A_295 : i32 to index
      %swap3A_303 = tpu.vector_load %arg11[%swap3A_302] {strides = array<i32>} : memref<3584xi32, #tpu.memory_space<vmem>>, vector<16xi32>,
      %swap3A_304 = vector.shape_cast %swap3A_303 : vector<16xi32> to vector<16xi32>
      %swap3A_305 = vector.shape_cast %add3A_301 : vector<16xi32> to vector<16xi32>
      tpu.vector_store %arg11[%swap3A_302], %swap3A_305 {strides = array<i32>} : memref<3584xi32, #tpu.memory_space<vmem>>, vector<16xi32>,
      %add3A_306 = arith.constant 1024 : i32
      %add3A_307 = arith.addi %add3A_306, %multiple_of3A : i32
      %get3A_308 = arith.index_cast %add3A_307 : i32 to index
      %get3A_309 = tpu.vector_load %arg11[%get3A_308] {strides = array<i32>} : memref<3584xi32, #tpu.memory_space<vmem>>, vector<16xi32>,
      %get3A_310 = vector.shape_cast %get3A_309 : vector<16xi32> to vector<16xi32>
      %add3A_311 = arith.constant 600000 : i32
      %add3A_312 = vector.broadcast %add3A_311 : i32 to vector<16xi32>
      %add3A_313 = arith.addi %get3A_310, %add3A_312 : vector<16xi32>
      %swap3A_314 = arith.index_cast %add3A_307 : i32 to index
      %swap3A_315 = tpu.vector_load %arg11[%swap3A_314] {strides = array<i32>} : memref<3584xi32, #tpu.memory_space<vmem>>, vector<16xi32>,
      %swap3A_316 = vector.shape_cast %swap3A_315 : vector<16xi32> to vector<16xi32>
      %swap3A_317 = vector.shape_cast %add3A_313 : vector<16xi32> to vector<16xi32>
      tpu.vector_store %arg11[%swap3A_314], %swap3A_317 {strides = array<i32>} : memref<3584xi32, #tpu.memory_space<vmem>>, vector<16xi32>,
      %add3A_318 = arith.constant 1536 : i32
      %add3A_319 = arith.addi %add3A_318, %multiple_of3A : i32
      %get3A_320 = arith.index_cast %add3A_319 : i32 to index
      %get3A_321 = tpu.vector_load %arg11[%get3A_320] {strides = array<i32>} : memref<3584xi32, #tpu.memory_space<vmem>>, vector<16xi32>,
      %get3A_322 = vector.shape_cast %get3A_321 : vector<16xi32> to vector<16xi32>
      %add3A_323 = arith.constant 640000 : i32
      %add3A_324 = vector.broadcast %add3A_323 : i32 to vector<16xi32>
      %add3A_325 = arith.addi %get3A_322, %add3A_324 : vector<16xi32>
      %swap3A_326 = arith.index_cast %add3A_319 : i32 to index
      %swap3A_327 = tpu.vector_load %arg11[%swap3A_326] {strides = array<i32>} : memref<3584xi32, #tpu.memory_space<vmem>>, vector<16xi32>,
      %swap3A_328 = vector.shape_cast %swap3A_327 : vector<16xi32> to vector<16xi32>
      %swap3A_329 = vector.shape_cast %add3A_325 : vector<16xi32> to vector<16xi32>
      tpu.vector_store %arg11[%swap3A_326], %swap3A_329 {strides = array<i32>} : memref<3584xi32, #tpu.memory_space<vmem>>, vector<16xi32>,
      %add3A_330 = arith.constant 2048 : i32
      %add3A_331 = arith.addi %add3A_330, %multiple_of3A : i32
      %get3A_332 = arith.index_cast %add3A_331 : i32 to index
      %get3A_333 = tpu.vector_load %arg11[%get3A_332] {strides = array<i32>} : memref<3584xi32, #tpu.memory_space<vmem>>, vector<16xi32>,
      %get3A_334 = vector.shape_cast %get3A_333 : vector<16xi32> to vector<16xi32>
      %add3A_335 = arith.constant 680000 : i32
      %add3A_336 = vector.broadcast %add3A_335 : i32 to vector<16xi32>
      %add3A_337 = arith.addi %get3A_334, %add3A_336 : vector<16xi32>
      %swap3A_338 = arith.index_cast %add3A_331 : i32 to index
      %swap3A_339 = tpu.vector_load %arg11[%swap3A_338] {strides = array<i32>} : memref<3584xi32, #tpu.memory_space<vmem>>, vector<16xi32>,
      %swap3A_340 = vector.shape_cast %swap3A_339 : vector<16xi32> to vector<16xi32>
      %swap3A_341 = vector.shape_cast %add3A_337 : vector<16xi32> to vector<16xi32>
      tpu.vector_store %arg11[%swap3A_338], %swap3A_341 {strides = array<i32>} : memref<3584xi32, #tpu.memory_space<vmem>>, vector<16xi32>,
      %add3A_342 = arith.constant 2560 : i32
      %add3A_343 = arith.addi %add3A_342, %multiple_of3A : i32
      %get3A_344 = arith.index_cast %add3A_343 : i32 to index
      %get3A_345 = tpu.vector_load %arg11[%get3A_344] {strides = array<i32>} : memref<3584xi32, #tpu.memory_space<vmem>>, vector<16xi32>,
      %get3A_346 = vector.shape_cast %get3A_345 : vector<16xi32> to vector<16xi32>
      %add3A_347 = arith.constant 720000 : i32
      %add3A_348 = vector.broadcast %add3A_347 : i32 to vector<16xi32>
      %add3A_349 = arith.addi %get3A_346, %add3A_348 : vector<16xi32>
      %swap3A_350 = arith.index_cast %add3A_343 : i32 to index
      %swap3A_351 = tpu.vector_load %arg11[%swap3A_350] {strides = array<i32>} : memref<3584xi32, #tpu.memory_space<vmem>>, vector<16xi32>,
      %swap3A_352 = vector.shape_cast %swap3A_351 : vector<16xi32> to vector<16xi32>
      %swap3A_353 = vector.shape_cast %add3A_349 : vector<16xi32> to vector<16xi32>
      tpu.vector_store %arg11[%swap3A_350], %swap3A_353 {strides = array<i32>} : memref<3584xi32, #tpu.memory_space<vmem>>, vector<16xi32>,
      %add3A_354 = arith.constant 3072 : i32
      %add3A_355 = arith.addi %add3A_354, %multiple_of3A : i32
      %get3A_356 = arith.index_cast %add3A_355 : i32 to index
      %get3A_357 = tpu.vector_load %arg11[%get3A_356] {strides = array<i32>} : memref<3584xi32, #tpu.memory_space<vmem>>, vector<16xi32>,
      %get3A_358 = vector.shape_cast %get3A_357 : vector<16xi32> to vector<16xi32>
      %add3A_359 = arith.constant 760000 : i32
      %add3A_360 = vector.broadcast %add3A_359 : i32 to vector<16xi32>
      %add3A_361 = arith.addi %get3A_358, %add3A_360 : vector<16xi32>
      %swap3A_362 = arith.index_cast %add3A_355 : i32 to index
      %swap3A_363 = tpu.vector_load %arg11[%swap3A_362] {strides = array<i32>} : memref<3584xi32, #tpu.memory_space<vmem>>, vector<16xi32>,
      %swap3A_364 = vector.shape_cast %swap3A_363 : vector<16xi32> to vector<16xi32>
      %swap3A_365 = vector.shape_cast %add3A_361 : vector<16xi32> to vector<16xi32>
      tpu.vector_store %arg11[%swap3A_362], %swap3A_365 {strides = array<i32>} : memref<3584xi32, #tpu.memory_space<vmem>>, vector<16xi32>,
      %add3A_366 = arith.constant 0 : i32
      %add3A_367 = arith.addi %add3A_366, %multiple_of3A : i32
      %get3A_368 = arith.index_cast %add3A_367 : i32 to index
      %get3A_369 = tpu.vector_load %arg12[%get3A_368] {strides = array<i32>} : memref<3072xi32, #tpu.memory_space<vmem>>, vector<16xi32>,
      %get3A_370 = vector.shape_cast %get3A_369 : vector<16xi32> to vector<16xi32>
      %add3A_371 = arith.constant 800000 : i32
      %add3A_372 = vector.broadcast %add3A_371 : i32 to vector<16xi32>
      %add3A_373 = arith.addi %get3A_370, %add3A_372 : vector<16xi32>
      %swap3A_374 = arith.index_cast %add3A_367 : i32 to index
      %swap3A_375 = tpu.vector_load %arg12[%swap3A_374] {strides = array<i32>} : memref<3072xi32, #tpu.memory_space<vmem>>, vector<16xi32>,
      %swap3A_376 = vector.shape_cast %swap3A_375 : vector<16xi32> to vector<16xi32>
      %swap3A_377 = vector.shape_cast %add3A_373 : vector<16xi32> to vector<16xi32>
      tpu.vector_store %arg12[%swap3A_374], %swap3A_377 {strides = array<i32>} : memref<3072xi32, #tpu.memory_space<vmem>>, vector<16xi32>,
      %add3A_378 = arith.constant 512 : i32
      %add3A_379 = arith.addi %add3A_378, %multiple_of3A : i32
      %get3A_380 = arith.index_cast %add3A_379 : i32 to index
      %get3A_381 = tpu.vector_load %arg12[%get3A_380] {strides = array<i32>} : memref<3072xi32, #tpu.memory_space<vmem>>, vector<16xi32>,
      %get3A_382 = vector.shape_cast %get3A_381 : vector<16xi32> to vector<16xi32>
      %add3A_383 = arith.constant 840000 : i32
      %add3A_384 = vector.broadcast %add3A_383 : i32 to vector<16xi32>
      %add3A_385 = arith.addi %get3A_382, %add3A_384 : vector<16xi32>
      %swap3A_386 = arith.index_cast %add3A_379 : i32 to index
      %swap3A_387 = tpu.vector_load %arg12[%swap3A_386] {strides = array<i32>} : memref<3072xi32, #tpu.memory_space<vmem>>, vector<16xi32>,
      %swap3A_388 = vector.shape_cast %swap3A_387 : vector<16xi32> to vector<16xi32>
      %swap3A_389 = vector.shape_cast %add3A_385 : vector<16xi32> to vector<16xi32>
      tpu.vector_store %arg12[%swap3A_386], %swap3A_389 {strides = array<i32>} : memref<3072xi32, #tpu.memory_space<vmem>>, vector<16xi32>,
      %add3A_390 = arith.constant 1024 : i32
      %add3A_391 = arith.addi %add3A_390, %multiple_of3A : i32
      %get3A_392 = arith.index_cast %add3A_391 : i32 to index
      %get3A_393 = tpu.vector_load %arg12[%get3A_392] {strides = array<i32>} : memref<3072xi32, #tpu.memory_space<vmem>>, vector<16xi32>,
      %get3A_394 = vector.shape_cast %get3A_393 : vector<16xi32> to vector<16xi32>
      %add3A_395 = arith.constant 880000 : i32
      %add3A_396 = vector.broadcast %add3A_395 : i32 to vector<16xi32>
      %add3A_397 = arith.addi %get3A_394, %add3A_396 : vector<16xi32>
      %swap3A_398 = arith.index_cast %add3A_391 : i32 to index
      %swap3A_399 = tpu.vector_load %arg12[%swap3A_398] {strides = array<i32>} : memref<3072xi32, #tpu.memory_space<vmem>>, vector<16xi32>,
      %swap3A_400 = vector.shape_cast %swap3A_399 : vector<16xi32> to vector<16xi32>
      %swap3A_401 = vector.shape_cast %add3A_397 : vector<16xi32> to vector<16xi32>
      tpu.vector_store %arg12[%swap3A_398], %swap3A_401 {strides = array<i32>} : memref<3072xi32, #tpu.memory_space<vmem>>, vector<16xi32>,
      %add3A_402 = arith.constant 1536 : i32
      %add3A_403 = arith.addi %add3A_402, %multiple_of3A : i32
      %get3A_404 = arith.index_cast %add3A_403 : i32 to index
      %get3A_405 = tpu.vector_load %arg12[%get3A_404] {strides = array<i32>} : memref<3072xi32, #tpu.memory_space<vmem>>, vector<16xi32>,
      %get3A_406 = vector.shape_cast %get3A_405 : vector<16xi32> to vector<16xi32>
      %add3A_407 = arith.constant 920000 : i32
      %add3A_408 = vector.broadcast %add3A_407 : i32 to vector<16xi32>
      %add3A_409 = arith.addi %get3A_406, %add3A_408 : vector<16xi32>
      %swap3A_410 = arith.index_cast %add3A_403 : i32 to index
      %swap3A_411 = tpu.vector_load %arg12[%swap3A_410] {strides = array<i32>} : memref<3072xi32, #tpu.memory_space<vmem>>, vector<16xi32>,
      %swap3A_412 = vector.shape_cast %swap3A_411 : vector<16xi32> to vector<16xi32>
      %swap3A_413 = vector.shape_cast %add3A_409 : vector<16xi32> to vector<16xi32>
      tpu.vector_store %arg12[%swap3A_410], %swap3A_413 {strides = array<i32>} : memref<3072xi32, #tpu.memory_space<vmem>>, vector<16xi32>,
      %add3A_414 = arith.constant 2048 : i32
      %add3A_415 = arith.addi %add3A_414, %multiple_of3A : i32
      %get3A_416 = arith.index_cast %add3A_415 : i32 to index
      %get3A_417 = tpu.vector_load %arg12[%get3A_416] {strides = array<i32>} : memref<3072xi32, #tpu.memory_space<vmem>>, vector<16xi32>,
      %get3A_418 = vector.shape_cast %get3A_417 : vector<16xi32> to vector<16xi32>
      %add3A_419 = arith.constant 960000 : i32
      %add3A_420 = vector.broadcast %add3A_419 : i32 to vector<16xi32>
      %add3A_421 = arith.addi %get3A_418, %add3A_420 : vector<16xi32>
      %swap3A_422 = arith.index_cast %add3A_415 : i32 to index
      %swap3A_423 = tpu.vector_load %arg12[%swap3A_422] {strides = array<i32>} : memref<3072xi32, #tpu.memory_space<vmem>>, vector<16xi32>,
      %swap3A_424 = vector.shape_cast %swap3A_423 : vector<16xi32> to vector<16xi32>
      %swap3A_425 = vector.shape_cast %add3A_421 : vector<16xi32> to vector<16xi32>
      tpu.vector_store %arg12[%swap3A_422], %swap3A_425 {strides = array<i32>} : memref<3072xi32, #tpu.memory_space<vmem>>, vector<16xi32>,
      %add3A_426 = arith.constant 2560 : i32
      %add3A_427 = arith.addi %add3A_426, %multiple_of3A : i32
      %get3A_428 = arith.index_cast %add3A_427 : i32 to index
      %get3A_429 = tpu.vector_load %arg12[%get3A_428] {strides = array<i32>} : memref<3072xi32, #tpu.memory_space<vmem>>, vector<16xi32>,
      %get3A_430 = vector.shape_cast %get3A_429 : vector<16xi32> to vector<16xi32>
      %add3A_431 = arith.constant 1000000 : i32
      %add3A_432 = vector.broadcast %add3A_431 : i32 to vector<16xi32>
      %add3A_433 = arith.addi %get3A_430, %add3A_432 : vector<16xi32>
      %swap3A_434 = arith.index_cast %add3A_427 : i32 to index
      %swap3A_435 = tpu.vector_load %arg12[%swap3A_434] {strides = array<i32>} : memref<3072xi32, #tpu.memory_space<vmem>>, vector<16xi32>,
      %swap3A_436 = vector.shape_cast %swap3A_435 : vector<16xi32> to vector<16xi32>
      %swap3A_437 = vector.shape_cast %add3A_433 : vector<16xi32> to vector<16xi32>
      tpu.vector_store %arg12[%swap3A_434], %swap3A_437 {strides = array<i32>} : memref<3072xi32, #tpu.memory_space<vmem>>, vector<16xi32>,
      %scan3A_438 = arith.constant 0 : i32
      scf.yield %scan3A_438 : i32
    }
    %scan3A_106 = arith.constant 32 : i32
    %dma_wait3A_107 = tpu.memref_slice %arg6[%add3A_74] : memref<1040000xf32, #tpu.memory_space<vmem_shared>> -> memref<13000xf32, #tpu.memory_space<vmem_shared>>
    %dma_wait3A_108 = tpu.memref_slice %arg6[%add3A_74] : memref<1040000xf32, #tpu.memory_space<vmem_shared>> -> memref<13000xf32, #tpu.memory_space<vmem_shared>>
    tpu.wait_dma2 semaphore(%arg23 : memref<!tpu.dma_semaphore, #tpu.memory_space<semaphore_mem>>) src(%arg8 : memref<13000xf32, #tpu.memory_space<vmem>>) dst(%dma_wait3A_108 : memref<13000xf32, #tpu.memory_space<vmem_shared>>)
    %dma_wait3A_109 = tpu.memref_slice %arg6[%add3A_90] : memref<1040000xf32, #tpu.memory_space<vmem_shared>> -> memref<13000xf32, #tpu.memory_space<vmem_shared>>
    %dma_wait3A_110 = tpu.memref_slice %arg6[%add3A_90] : memref<1040000xf32, #tpu.memory_space<vmem_shared>> -> memref<13000xf32, #tpu.memory_space<vmem_shared>>
    tpu.wait_dma2 semaphore(%arg22 : memref<!tpu.dma_semaphore, #tpu.memory_space<semaphore_mem>>) src(%arg7 : memref<13000xf32, #tpu.memory_space<vmem>>) dst(%dma_wait3A_110 : memref<13000xf32, #tpu.memory_space<vmem_shared>>)
    %barrier3A = arith.constant 0 : index
    tpu.barrier barrier_id(%barrier3A)
    %dma_start3A_111 = arith.constant 0 : i32
    %dma_start3A_112 = tpu.memref_slice %arg6[%dma_start3A_111] : memref<1040000xf32, #tpu.memory_space<vmem_shared>> -> memref<1040000xf32, #tpu.memory_space<vmem_shared>>
    tpu.enqueue_indirect_dma source(%dma_start3A_112 : memref<1040000xf32, #tpu.memory_space<vmem_shared>>) target(%arg13 : memref<3584xf32, #tpu.memory_space<vmem>>) offsets(%arg9 : memref<3584xi32, #tpu.memory_space<vmem>>) semaphore(%arg24 : memref<!tpu.dma_semaphore, #tpu.memory_space<semaphore_mem>>)
    %dma_start3A_113 = arith.constant 0 : i32
    %dma_start3A_114 = tpu.memref_slice %arg6[%dma_start3A_113] : memref<1040000xf32, #tpu.memory_space<vmem_shared>> -> memref<1040000xf32, #tpu.memory_space<vmem_shared>>
    tpu.enqueue_indirect_dma source(%dma_start3A_114 : memref<1040000xf32, #tpu.memory_space<vmem_shared>>) target(%arg14 : memref<3072xf32, #tpu.memory_space<vmem>>) offsets(%arg10 : memref<3072xi32, #tpu.memory_space<vmem>>) semaphore(%arg24 : memref<!tpu.dma_semaphore, #tpu.memory_space<semaphore_mem>>)
    %dma_start3A_115 = arith.constant 0 : i32
    %dma_start3A_116 = tpu.memref_slice %arg6[%dma_start3A_115] : memref<1040000xf32, #tpu.memory_space<vmem_shared>> -> memref<1040000xf32, #tpu.memory_space<vmem_shared>>
    tpu.enqueue_indirect_dma source(%dma_start3A_116 : memref<1040000xf32, #tpu.memory_space<vmem_shared>>) target(%arg15 : memref<3584xf32, #tpu.memory_space<vmem>>) offsets(%arg11 : memref<3584xi32, #tpu.memory_space<vmem>>) semaphore(%arg24 : memref<!tpu.dma_semaphore, #tpu.memory_space<semaphore_mem>>)
    %dma_start3A_117 = arith.constant 0 : i32
    %dma_start3A_118 = tpu.memref_slice %arg6[%dma_start3A_117] : memref<1040000xf32, #tpu.memory_space<vmem_shared>> -> memref<1040000xf32, #tpu.memory_space<vmem_shared>>
    tpu.enqueue_indirect_dma source(%dma_start3A_118 : memref<1040000xf32, #tpu.memory_space<vmem_shared>>) target(%arg16 : memref<3072xf32, #tpu.memory_space<vmem>>) offsets(%arg12 : memref<3072xi32, #tpu.memory_space<vmem>>) semaphore(%arg24 : memref<!tpu.dma_semaphore, #tpu.memory_space<semaphore_mem>>)
    %dma_wait3A_119 = arith.constant 0 : i32
    %dma_wait3A_120 = tpu.memref_slice %arg6[%dma_wait3A_119] : memref<1040000xf32, #tpu.memory_space<vmem_shared>> -> memref<1040000xf32, #tpu.memory_space<vmem_shared>>
    tpu.wait_indirect_dma semaphore(%arg24 : memref<!tpu.dma_semaphore, #tpu.memory_space<semaphore_mem>>) src(%dma_wait3A_120 : memref<1040000xf32, #tpu.memory_space<vmem_shared>>) dst(%arg13 : memref<3584xf32, #tpu.memory_space<vmem>>)
    %dma_wait3A_121 = arith.constant 0 : i32
    %dma_wait3A_122 = tpu.memref_slice %arg6[%dma_wait3A_121] : memref<1040000xf32, #tpu.memory_space<vmem_shared>> -> memref<1040000xf32, #tpu.memory_space<vmem_shared>>
    tpu.wait_indirect_dma semaphore(%arg24 : memref<!tpu.dma_semaphore, #tpu.memory_space<semaphore_mem>>) src(%dma_wait3A_122 : memref<1040000xf32, #tpu.memory_space<vmem_shared>>) dst(%arg14 : memref<3072xf32, #tpu.memory_space<vmem>>)
    %dma_wait3A_123 = arith.constant 0 : i32
    %dma_wait3A_124 = tpu.memref_slice %arg6[%dma_wait3A_123] : memref<1040000xf32, #tpu.memory_space<vmem_shared>> -> memref<1040000xf32, #tpu.memory_space<vmem_shared>>
    tpu.wait_indirect_dma semaphore(%arg24 : memref<!tpu.dma_semaphore, #tpu.memory_space<semaphore_mem>>) src(%dma_wait3A_124 : memref<1040000xf32, #tpu.memory_space<vmem_shared>>) dst(%arg15 : memref<3584xf32, #tpu.memory_space<vmem>>)
    %dma_wait3A_125 = arith.constant 0 : i32
    %dma_wait3A_126 = tpu.memref_slice %arg6[%dma_wait3A_125] : memref<1040000xf32, #tpu.memory_space<vmem_shared>> -> memref<1040000xf32, #tpu.memory_space<vmem_shared>>
    tpu.wait_indirect_dma semaphore(%arg24 : memref<!tpu.dma_semaphore, #tpu.memory_space<semaphore_mem>>) src(%dma_wait3A_126 : memref<1040000xf32, #tpu.memory_space<vmem_shared>>) dst(%arg16 : memref<3072xf32, #tpu.memory_space<vmem>>)
    %scan3A_127 = arith.constant 0 : i32
    %scan3A_128 = arith.constant 0 : i32
    %scan3A_129 = arith.constant 32 : i32
    %scan3A_130 = arith.addi %scan3A_128, %scan3A_129 : i32
    %scan3A_131 = arith.constant 1 : i32
    %scan3A_132 = scf.for %scan3A_136 = %scan3A_128 to %scan3A_130 step %scan3A_131 iter_args(%scan3A_137 = %scan3A_127) -> (i32)  : i32 {
      %mul3A_138 = arith.constant 16 : i32
      %mul3A_139 = arith.muli %scan3A_136, %mul3A_138 : i32
      %multiple_of3A = tpu.assume_multiple %mul3A_139, 16 : i32
      %get3A = arith.constant 0 : index
      %get3A_140 = tpu.vector_load %arg18[%get3A] {strides = array<i32>} : memref<16xf32, #tpu.memory_space<vmem>>, vector<16xf32>,
      %get3A_141 = vector.shape_cast %get3A_140 : vector<16xf32> to vector<16xf32>
      %add3A_142 = arith.constant 0 : i32
      %add3A_143 = arith.addi %add3A_142, %multiple_of3A : i32
      %get3A_144 = arith.index_cast %add3A_143 : i32 to index
      %get3A_145 = tpu.vector_load %arg13[%get3A_144] {strides = array<i32>} : memref<3584xf32, #tpu.memory_space<vmem>>, vector<16xf32>,
      %get3A_146 = vector.shape_cast %get3A_145 : vector<16xf32> to vector<16xf32>
      %add3A_147 = arith.addf %get3A_141, %get3A_146 : vector<16xf32>
      %add3A_148 = arith.constant 512 : i32
      %add3A_149 = arith.addi %add3A_148, %multiple_of3A : i32
      %get3A_150 = arith.index_cast %add3A_149 : i32 to index
      %get3A_151 = tpu.vector_load %arg13[%get3A_150] {strides = array<i32>} : memref<3584xf32, #tpu.memory_space<vmem>>, vector<16xf32>,
      %get3A_152 = vector.shape_cast %get3A_151 : vector<16xf32> to vector<16xf32>
      %add3A_153 = arith.addf %add3A_147, %get3A_152 : vector<16xf32>
      %add3A_154 = arith.constant 1024 : i32
      %add3A_155 = arith.addi %add3A_154, %multiple_of3A : i32
      %get3A_156 = arith.index_cast %add3A_155 : i32 to index
      %get3A_157 = tpu.vector_load %arg13[%get3A_156] {strides = array<i32>} : memref<3584xf32, #tpu.memory_space<vmem>>, vector<16xf32>,
      %get3A_158 = vector.shape_cast %get3A_157 : vector<16xf32> to vector<16xf32>
      %add3A_159 = arith.addf %add3A_153, %get3A_158 : vector<16xf32>
      %add3A_160 = arith.constant 1536 : i32
      %add3A_161 = arith.addi %add3A_160, %multiple_of3A : i32
      %get3A_162 = arith.index_cast %add3A_161 : i32 to index
      %get3A_163 = tpu.vector_load %arg13[%get3A_162] {strides = array<i32>} : memref<3584xf32, #tpu.memory_space<vmem>>, vector<16xf32>,
      %get3A_164 = vector.shape_cast %get3A_163 : vector<16xf32> to vector<16xf32>
      %add3A_165 = arith.addf %add3A_159, %get3A_164 : vector<16xf32>
      %add3A_166 = arith.constant 2048 : i32
      %add3A_167 = arith.addi %add3A_166, %multiple_of3A : i32
      %get3A_168 = arith.index_cast %add3A_167 : i32 to index
      %get3A_169 = tpu.vector_load %arg13[%get3A_168] {strides = array<i32>} : memref<3584xf32, #tpu.memory_space<vmem>>, vector<16xf32>,
      %get3A_170 = vector.shape_cast %get3A_169 : vector<16xf32> to vector<16xf32>
      %add3A_171 = arith.addf %add3A_165, %get3A_170 : vector<16xf32>
      %add3A_172 = arith.constant 2560 : i32
      %add3A_173 = arith.addi %add3A_172, %multiple_of3A : i32
      %get3A_174 = arith.index_cast %add3A_173 : i32 to index
      %get3A_175 = tpu.vector_load %arg13[%get3A_174] {strides = array<i32>} : memref<3584xf32, #tpu.memory_space<vmem>>, vector<16xf32>,
      %get3A_176 = vector.shape_cast %get3A_175 : vector<16xf32> to vector<16xf32>
      %add3A_177 = arith.addf %add3A_171, %get3A_176 : vector<16xf32>
      %add3A_178 = arith.constant 3072 : i32
      %add3A_179 = arith.addi %add3A_178, %multiple_of3A : i32
      %get3A_180 = arith.index_cast %add3A_179 : i32 to index
      %get3A_181 = tpu.vector_load %arg13[%get3A_180] {strides = array<i32>} : memref<3584xf32, #tpu.memory_space<vmem>>, vector<16xf32>,
      %get3A_182 = vector.shape_cast %get3A_181 : vector<16xf32> to vector<16xf32>
      %add3A_183 = arith.addf %add3A_177, %get3A_182 : vector<16xf32>
      %add3A_184 = arith.constant 0 : i32
      %add3A_185 = arith.addi %add3A_184, %multiple_of3A : i32
      %get3A_186 = arith.index_cast %add3A_185 : i32 to index
      %get3A_187 = tpu.vector_load %arg14[%get3A_186] {strides = array<i32>} : memref<3072xf32, #tpu.memory_space<vmem>>, vector<16xf32>,
      %get3A_188 = vector.shape_cast %get3A_187 : vector<16xf32> to vector<16xf32>
      %add3A_189 = arith.addf %add3A_183, %get3A_188 : vector<16xf32>
      %add3A_190 = arith.constant 512 : i32
      %add3A_191 = arith.addi %add3A_190, %multiple_of3A : i32
      %get3A_192 = arith.index_cast %add3A_191 : i32 to index
      %get3A_193 = tpu.vector_load %arg14[%get3A_192] {strides = array<i32>} : memref<3072xf32, #tpu.memory_space<vmem>>, vector<16xf32>,
      %get3A_194 = vector.shape_cast %get3A_193 : vector<16xf32> to vector<16xf32>
      %add3A_195 = arith.addf %add3A_189, %get3A_194 : vector<16xf32>
      %add3A_196 = arith.constant 1024 : i32
      %add3A_197 = arith.addi %add3A_196, %multiple_of3A : i32
      %get3A_198 = arith.index_cast %add3A_197 : i32 to index
      %get3A_199 = tpu.vector_load %arg14[%get3A_198] {strides = array<i32>} : memref<3072xf32, #tpu.memory_space<vmem>>, vector<16xf32>,
      %get3A_200 = vector.shape_cast %get3A_199 : vector<16xf32> to vector<16xf32>
      %add3A_201 = arith.addf %add3A_195, %get3A_200 : vector<16xf32>
      %add3A_202 = arith.constant 1536 : i32
      %add3A_203 = arith.addi %add3A_202, %multiple_of3A : i32
      %get3A_204 = arith.index_cast %add3A_203 : i32 to index
      %get3A_205 = tpu.vector_load %arg14[%get3A_204] {strides = array<i32>} : memref<3072xf32, #tpu.memory_space<vmem>>, vector<16xf32>,
      %get3A_206 = vector.shape_cast %get3A_205 : vector<16xf32> to vector<16xf32>
      %add3A_207 = arith.addf %add3A_201, %get3A_206 : vector<16xf32>
      %add3A_208 = arith.constant 2048 : i32
      %add3A_209 = arith.addi %add3A_208, %multiple_of3A : i32
      %get3A_210 = arith.index_cast %add3A_209 : i32 to index
      %get3A_211 = tpu.vector_load %arg14[%get3A_210] {strides = array<i32>} : memref<3072xf32, #tpu.memory_space<vmem>>, vector<16xf32>,
      %get3A_212 = vector.shape_cast %get3A_211 : vector<16xf32> to vector<16xf32>
      %add3A_213 = arith.addf %add3A_207, %get3A_212 : vector<16xf32>
      %add3A_214 = arith.constant 2560 : i32
      %add3A_215 = arith.addi %add3A_214, %multiple_of3A : i32
      %get3A_216 = arith.index_cast %add3A_215 : i32 to index
      %get3A_217 = tpu.vector_load %arg14[%get3A_216] {strides = array<i32>} : memref<3072xf32, #tpu.memory_space<vmem>>, vector<16xf32>,
      %get3A_218 = vector.shape_cast %get3A_217 : vector<16xf32> to vector<16xf32>
      %add3A_219 = arith.addf %add3A_213, %get3A_218 : vector<16xf32>
      %add3A_220 = arith.constant 0 : i32
      %add3A_221 = arith.addi %add3A_220, %multiple_of3A : i32
      %get3A_222 = arith.index_cast %add3A_221 : i32 to index
      %get3A_223 = tpu.vector_load %arg15[%get3A_222] {strides = array<i32>} : memref<3584xf32, #tpu.memory_space<vmem>>, vector<16xf32>,
      %get3A_224 = vector.shape_cast %get3A_223 : vector<16xf32> to vector<16xf32>
      %add3A_225 = arith.addf %add3A_219, %get3A_224 : vector<16xf32>
      %add3A_226 = arith.constant 512 : i32
      %add3A_227 = arith.addi %add3A_226, %multiple_of3A : i32
      %get3A_228 = arith.index_cast %add3A_227 : i32 to index
      %get3A_229 = tpu.vector_load %arg15[%get3A_228] {strides = array<i32>} : memref<3584xf32, #tpu.memory_space<vmem>>, vector<16xf32>,
      %get3A_230 = vector.shape_cast %get3A_229 : vector<16xf32> to vector<16xf32>
      %add3A_231 = arith.addf %add3A_225, %get3A_230 : vector<16xf32>
      %add3A_232 = arith.constant 1024 : i32
      %add3A_233 = arith.addi %add3A_232, %multiple_of3A : i32
      %get3A_234 = arith.index_cast %add3A_233 : i32 to index
      %get3A_235 = tpu.vector_load %arg15[%get3A_234] {strides = array<i32>} : memref<3584xf32, #tpu.memory_space<vmem>>, vector<16xf32>,
      %get3A_236 = vector.shape_cast %get3A_235 : vector<16xf32> to vector<16xf32>
      %add3A_237 = arith.addf %add3A_231, %get3A_236 : vector<16xf32>
      %add3A_238 = arith.constant 1536 : i32
      %add3A_239 = arith.addi %add3A_238, %multiple_of3A : i32
      %get3A_240 = arith.index_cast %add3A_239 : i32 to index
      %get3A_241 = tpu.vector_load %arg15[%get3A_240] {strides = array<i32>} : memref<3584xf32, #tpu.memory_space<vmem>>, vector<16xf32>,
      %get3A_242 = vector.shape_cast %get3A_241 : vector<16xf32> to vector<16xf32>
      %add3A_243 = arith.addf %add3A_237, %get3A_242 : vector<16xf32>
      %add3A_244 = arith.constant 2048 : i32
      %add3A_245 = arith.addi %add3A_244, %multiple_of3A : i32
      %get3A_246 = arith.index_cast %add3A_245 : i32 to index
      %get3A_247 = tpu.vector_load %arg15[%get3A_246] {strides = array<i32>} : memref<3584xf32, #tpu.memory_space<vmem>>, vector<16xf32>,
      %get3A_248 = vector.shape_cast %get3A_247 : vector<16xf32> to vector<16xf32>
      %add3A_249 = arith.addf %add3A_243, %get3A_248 : vector<16xf32>
      %add3A_250 = arith.constant 2560 : i32
      %add3A_251 = arith.addi %add3A_250, %multiple_of3A : i32
      %get3A_252 = arith.index_cast %add3A_251 : i32 to index
      %get3A_253 = tpu.vector_load %arg15[%get3A_252] {strides = array<i32>} : memref<3584xf32, #tpu.memory_space<vmem>>, vector<16xf32>,
      %get3A_254 = vector.shape_cast %get3A_253 : vector<16xf32> to vector<16xf32>
      %add3A_255 = arith.addf %add3A_249, %get3A_254 : vector<16xf32>
      %add3A_256 = arith.constant 3072 : i32
      %add3A_257 = arith.addi %add3A_256, %multiple_of3A : i32
      %get3A_258 = arith.index_cast %add3A_257 : i32 to index
      %get3A_259 = tpu.vector_load %arg15[%get3A_258] {strides = array<i32>} : memref<3584xf32, #tpu.memory_space<vmem>>, vector<16xf32>,
      %get3A_260 = vector.shape_cast %get3A_259 : vector<16xf32> to vector<16xf32>
      %add3A_261 = arith.addf %add3A_255, %get3A_260 : vector<16xf32>
      %add3A_262 = arith.constant 0 : i32
      %add3A_263 = arith.addi %add3A_262, %multiple_of3A : i32
      %get3A_264 = arith.index_cast %add3A_263 : i32 to index
      %get3A_265 = tpu.vector_load %arg16[%get3A_264] {strides = array<i32>} : memref<3072xf32, #tpu.memory_space<vmem>>, vector<16xf32>,
      %get3A_266 = vector.shape_cast %get3A_265 : vector<16xf32> to vector<16xf32>
      %add3A_267 = arith.addf %add3A_261, %get3A_266 : vector<16xf32>
      %add3A_268 = arith.constant 512 : i32
      %add3A_269 = arith.addi %add3A_268, %multiple_of3A : i32
      %get3A_270 = arith.index_cast %add3A_269 : i32 to index
      %get3A_271 = tpu.vector_load %arg16[%get3A_270] {strides = array<i32>} : memref<3072xf32, #tpu.memory_space<vmem>>, vector<16xf32>,
      %get3A_272 = vector.shape_cast %get3A_271 : vector<16xf32> to vector<16xf32>
      %add3A_273 = arith.addf %add3A_267, %get3A_272 : vector<16xf32>
      %add3A_274 = arith.constant 1024 : i32
      %add3A_275 = arith.addi %add3A_274, %multiple_of3A : i32
      %get3A_276 = arith.index_cast %add3A_275 : i32 to index
      %get3A_277 = tpu.vector_load %arg16[%get3A_276] {strides = array<i32>} : memref<3072xf32, #tpu.memory_space<vmem>>, vector<16xf32>,
      %get3A_278 = vector.shape_cast %get3A_277 : vector<16xf32> to vector<16xf32>
      %add3A_279 = arith.addf %add3A_273, %get3A_278 : vector<16xf32>
      %add3A_280 = arith.constant 1536 : i32
      %add3A_281 = arith.addi %add3A_280, %multiple_of3A : i32
      %get3A_282 = arith.index_cast %add3A_281 : i32 to index
      %get3A_283 = tpu.vector_load %arg16[%get3A_282] {strides = array<i32>} : memref<3072xf32, #tpu.memory_space<vmem>>, vector<16xf32>,
      %get3A_284 = vector.shape_cast %get3A_283 : vector<16xf32> to vector<16xf32>
      %add3A_285 = arith.addf %add3A_279, %get3A_284 : vector<16xf32>
      %add3A_286 = arith.constant 2048 : i32
      %add3A_287 = arith.addi %add3A_286, %multiple_of3A : i32
      %get3A_288 = arith.index_cast %add3A_287 : i32 to index
      %get3A_289 = tpu.vector_load %arg16[%get3A_288] {strides = array<i32>} : memref<3072xf32, #tpu.memory_space<vmem>>, vector<16xf32>,
      %get3A_290 = vector.shape_cast %get3A_289 : vector<16xf32> to vector<16xf32>
      %add3A_291 = arith.addf %add3A_285, %get3A_290 : vector<16xf32>
      %add3A_292 = arith.constant 2560 : i32
      %add3A_293 = arith.addi %add3A_292, %multiple_of3A : i32
      %get3A_294 = arith.index_cast %add3A_293 : i32 to index
      %get3A_295 = tpu.vector_load %arg16[%get3A_294] {strides = array<i32>} : memref<3072xf32, #tpu.memory_space<vmem>>, vector<16xf32>,
      %get3A_296 = vector.shape_cast %get3A_295 : vector<16xf32> to vector<16xf32>
      %add3A_297 = arith.addf %add3A_291, %get3A_296 : vector<16xf32>
      %swap3A = arith.index_cast %multiple_of3A : i32 to index
      %swap3A_298 = tpu.vector_load %arg17[%swap3A] {strides = array<i32>} : memref<512xf32, #tpu.memory_space<vmem>>, vector<16xf32>,
      %swap3A_299 = vector.shape_cast %swap3A_298 : vector<16xf32> to vector<16xf32>
      %swap3A_300 = vector.shape_cast %add3A_297 : vector<16xf32> to vector<16xf32>
      tpu.vector_store %arg17[%swap3A], %swap3A_300 {strides = array<i32>} : memref<512xf32, #tpu.memory_space<vmem>>, vector<16xf32>,
      %scan3A_301 = arith.constant 0 : i32
      scf.yield %scan3A_301 : i32
    }
    %scan3A_133 = arith.constant 32 : i32
    %mul3A_134 = arith.constant 512 : i32
    %mul3A_135 = arith.muli %add3A, %mul3A_134 : i32
    "tpu.region"() ({
      %run_scoped3A = tpu.sem_alloc : memref<!tpu.dma_semaphore, #tpu.memory_space<semaphore_mem>>
      %dma_start3A_136 = tpu.memref_slice %arg5[%mul3A_135] : memref<16384xf32, #tpu.memory_space<hbm>> -> memref<512xf32, #tpu.memory_space<hbm>>
      %dma_start3A_137 = tpu.memref_slice %arg5[%mul3A_135] : memref<16384xf32, #tpu.memory_space<hbm>> -> memref<512xf32, #tpu.memory_space<hbm>>
      tpu.enqueue_dma source(%arg17 : memref<512xf32, #tpu.memory_space<vmem>>) target(%dma_start3A_137 : memref<512xf32, #tpu.memory_space<hbm>>) target_semaphore(%run_scoped3A : memref<!tpu.dma_semaphore, #tpu.memory_space<semaphore_mem>>)
      %dma_wait3A_138 = tpu.memref_slice %arg5[%mul3A_135] : memref<16384xf32, #tpu.memory_space<hbm>> -> memref<512xf32, #tpu.memory_space<hbm>>
      %dma_wait3A_139 = tpu.memref_slice %arg5[%mul3A_135] : memref<16384xf32, #tpu.memory_space<hbm>> -> memref<512xf32, #tpu.memory_space<hbm>>
      tpu.wait_dma2 semaphore(%run_scoped3A : memref<!tpu.dma_semaphore, #tpu.memory_space<semaphore_mem>>) src(%arg17 : memref<512xf32, #tpu.memory_space<vmem>>) dst(%dma_wait3A_139 : memref<512xf32, #tpu.memory_space<hbm>>)
      tpu.yield
    }) : () -> ()
    return
  }
}

</mosaic_0001>

<sc_bundles>
// kernel: _sc_lookup_sum.3.cloned.1.call-start
scs
__scs_entry_jumppad:
0x0: {  	(pc) =	sbr.rel $0x88, $3  }
0x1: {  	(tag) =	ssettag $0x0;
	lr =	simm.s32 $0x1  }
0x2: {  	[smem:$0x3F9E] =	sst lr;
	_ =	strace $0xD0000000  }
0x3: {  	_ = 	snop  }
0x4: {  	_ = 	snop  }
0x5: {  	_ = 	snop  }
0x6: {  	_ = 	snop  }
0x7: {  	_ = 	snop  }
__scs_overlays_trampoline_lowered:
0x8: {  	[smem:$0x3FAD] =	sst s0  }
0x9: {  	[smem:$0x3FAE] =	sst s1  }
0xa: {  	[smem:$0x3FAF] =	sst s2  }
0xb: {  	[smem:$0x3FB0] =	sst s3  }
0xc: {  	[smem:$0x3FB1] =	sst s4  }
0xd: {  	[smem:$0x3FB2] =	sst s5  }
0xe: {  	[smem:$0x3FB3] =	sst s6  }
0xf: {  	[smem:$0x3FB4] =	sst s7  }
0x10: {  	[smem:$0x3FB5] =	sst s8  }
0x11: {  	[smem:$0x3FB6] =	sst s9;
	s0 =	simm.s32 @!p0 $0x0  }
0x12: {  	s1 =	sld [smem:$0x3F9C];
	s0 =	simm.s32 @p0 $0x1  }
0x13: {  	[smem:$0x3FB7] =	sst s0;
	s0 =	simm.s32 @!p1 $0x0  }
0x14: {  	s2 =	sld [smem:$0x3F9B];
	s0 =	simm.s32 @p1 $0x1  }
0x15: {  	[smem:$0x3FB8] =	sst s0;
	s0 =	simm.s32 @!p2 $0x0  }
0x16: {  	s3 =	sld [smem:$0x3FDB];
	s0 =	simm.s32 @p2 $0x1  }
0x17: {  	s4 =	simm.s32 $0x1BF5;
	[smem:$0x3FBA] =	sst s0  }
0x18: {  	s0 =	sld [smem:$0x3F9D];
	_ =	swait.ge [sflag:s4], $0x0  }
0x19: {  	s7 =	sld [smem:$0x3F9E]  }
0x1a: {  	s8 =	sadd.s32 $0xFFFFE003, lr  }
0x1b: {  	s9 =	sadd.s32 $0xFFFFFEF7, lr;
	s5 =	simm.s32 $0xFFFFFFFF;
	p2 =	slt.u32 s8, $0xFFFFF086  }
0x1c: {  	p1 =	slt.u32 s9, $0xF7A;
	s5 =	simm.s32 @!p2 $0x0  }
0x1d: {  	s5 =	simm.s32 @p1 $0x1;
	p0 =	seq.s32 s7, s2  }
0x1e: {  	s7 =	smul.u32 @!p0 $0xF7A, s2;
	p2 =	seq.s32 @!p0 s5, $0x0  }
0x1f: {  	s9 =	smul.u32 $0xF7A, s1;
	s8 =	simm.s32 @!p0 $0x1BF5;
	p2 =	por !p2, p0  }
0x20: {  	[sflag:s8] =	ssyncset.s32 @!p0 $0xFFFFF086;
	s6 =	sadd.s32 @!p0 s3, s7;
	s7 =	simm.s32 @!p0 $0x108  }
0x21: {  	s3 =	sadd.s32 s3, s9;
	s6 =	sadd.s32 @!p0 $0x88, s6;
	s7 =	simm.s32 @p2 $0x1082  }
0x22: {  	[simem:s7], [sflag:s8] =	dma.local @!p0 [hbm:s6], $0xF7A  }
0x23: {  	s9 =	sor.u32 $0xD0000000, s2;
	s6 =	simm.s32 $0x108;
	_ =	swait.ge @!p0 [sflag:s8], $0x0  }
0x24: {  	s3 =	sadd.s32 $0x88, s3;
	s6 =	simm.s32 @!p1 $0x1082;
	[sflag:s4] =	ssyncset.s32 $0xFFFFF086  }
0x25: {  	[simem:s6], [sflag:s4] =	dma.local [hbm:s3], $0xF7A  }
0x26: {  	[smem:$0x3F9E] =	sst s1;
	(tag) =	ssettag s2;
	_ =	strace s9  }
0x27: {  	s1 =	sld [smem:$0x3FAE]  }
0x28: {  	s2 =	sld [smem:$0x3FAF]  }
0x29: {  	s4 =	sld [smem:$0x3FB1]  }
0x2a: {  	p0 =	seq.s32 s5, $0x0;
	s5 =	sld [smem:$0x3FB2]  }
0x2b: {  	s6 =	sld [smem:$0x3FB3]  }
0x2c: {  	s7 =	sld [smem:$0x3FB4]  }
0x2d: {  	s3 =	simm.s32 $0x108;
	s8 =	sld [smem:$0x3FB5]  }
0x2e: {  	s3 =	simm.s32 @!p0 $0x1082;
	s9 =	sld [smem:$0x3FB6]  }
0x2f: {  	lr =	sadd.s32 s0, s3;
	s0 =	sld [smem:$0x3FAD]  }
0x30: {  	s3 =	sld [smem:$0x3FB0]  }
0x31: {  	[smem:$0x3FB9] =	sst s10  }
0x32: {  	s10 =	sld [smem:$0x3FB7];
	_ =	sdelay $0x3  }
0x33: {  	p0 =	seq.s32 s10, $0x1;
	s10 =	sld [smem:$0x3FB9];
	_ =	sdelay $0x3  }
0x34: {  	[smem:$0x3FB9] =	sst s10  }
0x35: {  	s10 =	sld [smem:$0x3FB8];
	_ =	sdelay $0x3  }
0x36: {  	p1 =	seq.s32 s10, $0x1;
	s10 =	sld [smem:$0x3FB9];
	_ =	sdelay $0x3  }
0x37: {  	[smem:$0x3FB9] =	sst s10  }
0x38: {  	s10 =	sld [smem:$0x3FBA]  }
0x39: {  	_ = 	snop;
	(pc) =	sbr.ind lr, $3  }
0x3a: {  	_ = 	snop  }
0x3b: {  	_ = 	snop  }
0x3c: {  	p2 =	seq.s32 s10, $0x1;
	s10 =	sld [smem:$0x3FB9]  }
0x3d: {  	_ =	shalt  }
0x3e: {  	_ =	shalt  }
0x3f: {  	_ =	shalt  }
0x40: {  	_ =	shalt  }
0x41: {  	_ =	shalt  }
0x42: {  	_ =	shalt  }
0x43: {  	_ =	shalt  }
0x44: {  	_ =	shalt  }
0x45: {  	_ =	shalt  }
0x46: {  	_ =	shalt  }
0x47: {  	_ =	shalt  }
0x48: {  	_ =	shalt  }
0x49: {  	_ =	shalt  }
0x4a: {  	_ =	shalt  }
0x4b: {  	_ =	shalt  }
0x4c: {  	_ =	shalt  }
0x4d: {  	_ =	shalt  }
0x4e: {  	_ =	shalt  }
0x4f: {  	_ =	shalt  }
0x50: {  	_ =	shalt  }
0x51: {  	_ =	shalt  }
0x52: {  	_ =	shalt  }
0x53: {  	_ =	shalt  }
0x54: {  	_ =	shalt  }
0x55: {  	_ =	shalt  }
0x56: {  	_ =	shalt  }
0x57: {  	_ =	shalt  }
0x58: {  	_ =	shalt  }
0x59: {  	_ =	shalt  }
0x5a: {  	_ =	shalt  }
0x5b: {  	_ =	shalt  }
0x5c: {  	_ =	shalt  }
0x5d: {  	_ =	shalt  }
0x5e: {  	_ =	shalt  }
0x5f: {  	_ =	shalt  }
0x60: {  	_ =	shalt  }
0x61: {  	_ =	shalt  }
0x62: {  	_ =	shalt  }
0x63: {  	_ =	shalt  }
0x64: {  	_ =	shalt  }
0x65: {  	_ =	shalt  }
0x66: {  	_ =	shalt  }
0x67: {  	_ =	shalt  }
0x68: {  	_ =	shalt  }
0x69: {  	_ =	shalt  }
0x6a: {  	_ =	shalt  }
0x6b: {  	_ =	shalt  }
0x6c: {  	_ =	shalt  }
0x6d: {  	_ =	shalt  }
0x6e: {  	_ =	shalt  }
0x6f: {  	_ =	shalt  }
0x70: {  	_ =	shalt  }
0x71: {  	_ =	shalt  }
0x72: {  	_ =	shalt  }
0x73: {  	_ =	shalt  }
0x74: {  	_ =	shalt  }
0x75: {  	_ =	shalt  }
0x76: {  	_ =	shalt  }
0x77: {  	_ =	shalt  }
0x78: {  	_ =	shalt  }
0x79: {  	_ =	shalt  }
0x7a: {  	_ =	shalt  }
0x7b: {  	_ =	shalt  }
0x7c: {  	_ =	shalt  }
0x7d: {  	_ =	shalt  }
0x7e: {  	_ =	shalt  }
0x7f: {  	_ =	shalt  }
0x80: {  	_ =	shalt  }
0x81: {  	_ =	shalt  }
0x82: {  	_ =	shalt  }
0x83: {  	_ =	shalt  }
0x84: {  	_ =	shalt  }
0x85: {  	_ =	shalt  }
0x86: {  	_ =	shalt  }
0x87: {  	_ =	shalt  }
.Lfunc_end0:
.L_simem_size_0:
called_computation_lowered:
.L_overlay_start_0:
0x88: {  	s2 =	sld [smem:$0x3FD9]  }
0x89: {  	s3 =	sld [smem:$0x3FFE];
	_ =	sdelay $0x1  }
0x8a: {  	s1 =	srdreg.scid  }
0x8b: {  	s0 =	sand.u32 $0x1, s1  }
0x8c: {  	s18 =	sshll.u32 s0, $0xA;
	s2 =	sadd.s32 s3, s2  }
0x8d: {  	s2 =	sadd.s32 s2, s18  }
0x8e: {  	[smem:$0x3FC5] =	sst s2  }
0x8f: {  	_ = 	snop  }
0x90: {  	s2 =	sld [smem:$0x3FC9]  }
0x91: {  	s19 =	sld [smem:$0x3FC8]  }
0x92: {  	s4 =	sld [smem:$0x3FC7]  }
0x93: {  	s5 =	sld [smem:$0x3FD0];
	(tm) =	ssettm $0x1  }
0x94: {  	s6 =	sld [smem:$0x3FFB];
	_ =	sdelay $0x3  }
0x95: {  	_ =	strace s6  }
0x96: {  	s6 =	sld [smem:$0x3FFC];
	_ =	sdelay $0x3  }
0x97: {  	_ =	strace s6  }
0x98: {  	s6 =	sld [smem:$0x3FFD];
	_ =	sdelay $0x3  }
0x99: {  	_ =	strace s6  }
0x9a: {  	_ =	strace $0x8FFFFFFF  }
0x9b: {  	s20 =	sld [smem:$0x3FDB];
	_ =	sdelay $0x1  }
0x9c: {  	s7 =	simm.s32 $_scs_section_size  }
0x9d: {  	s8 =	simm.s32 $_size__tile_overlayer_lowered;
	s9 =	simm.s32 $_tile_overlayer_lowered  }
0x9e: {  	s23 =	simm.s32 $0x1BFF;
	s22 =	sshll.u32 s9, $0x1;
	s6 =	sadd.s32 s7, s20  }
0x9f: {  	s10 =	simm.s32 $0x0;
	s21 =	sshll.u32 s8, $0x1;
	s8 =	sadd.s32 s22, s6  }
0xa0: {  	[timem:s10], [sflag:s23] =	dma.local [hbm:s8], s21  }
0xa1: {  	_ =	swait.ge [sflag:s23], s21  }
0xa2: {  	s7 =	ssub.s32 $0x0, s21;
	[sflag:s23] =	ssyncset.done $0x0  }
0xa3: {  	[sflag:s23] =	ssyncadd.s32 s7;
	_ =	sdelay $0x1  }
0xa4: {  	s24 =	simm.s32 $0x1B8B  }
0xa5: {  	_ =	swait.ge [sflag:s24], $0x1  }
0xa6: {  	[sflag:s24] =	ssyncset.done $0x0  }
0xa7: {  	s25 =	simm.s32 $0x1B8E;
	[sflag:s24] =	ssyncadd.s32 $0xFFFFFFFF  }
0xa8: {  	s26 =	simm.s32 $execute0_lowered;
	[smem:$0x3FD2] =	sst s25  }
0xa9: {  	s7 =	sshll.u32 s26, $0x1;
	_ =	strace $0x80000046;
	[dreg:$0x1] =	wrdreg $0xFFFFFFFF  }
0xaa: {  	s28 =	simm.s32 $_size_execute0_lowered;
	s6 =	sadd.s32 s6, s7;
	[dreg:$0x0] =	wrdreg $0x0  }
0xab: {  	s7 =	sshll.u32 s28, $0x1;
	[dreg:$0x2] =	wrdreg s6  }
0xac: {  	[dreg:$0x3] =	wrdreg s7  }
0xad: {  	[dreg:$0x4] =	wrdreg $0xC0  }
0xae: {  	_ =	task [dreg:s10], $0x5FFFF  }
0xaf: {  	[dreg:$0x1] =	wrdreg $0xFFFFFFFF  }
0xb0: {  	[dreg:$0x0] =	wrdreg $0x60  }
0xb1: {  	[dreg:$0x2] =	wrdreg s2  }
0xb2: {  	[dreg:$0x3] =	wrdreg s19  }
0xb3: {  	[dreg:$0x4] =	wrdreg s4  }
0xb4: {  	[dreg:$0x5] =	wrdreg s5  }
0xb5: {  	[dreg:$0x6] =	wrdreg $0x0  }
0xb6: {  	[dreg:$0x7] =	wrdreg $0x9  }
0xb7: {  	_ =	task.clear_ibuf [dreg:s10], $0x8FFFF;
	_ =	strace $0x90000046  }
0xb8: {  	s29 =	simm.s32 $0x9;
	_ =	strace $0x80000048  }
0xb9: {  	_ =	swait.ge [sflag:s29], $0x1  }
0xba: {  	[sflag:s29] =	ssyncadd.s32 $0xFFFFFFFF  }
0xbb: {  	_ =	strace $0x90000048  }
0xbc: {  	_ =	sfence  }
0xbd: {  	s30 =	sld [smem:$0x0];
	_ =	sdelay $0x2  }
0xbe: {  	s31 =	sshll.u32 s1, $0xD;
	s1 =	sshrl.u32 s1, $0x2  }
0xbf: {  	s3 =	sand.u32 $0x4000, s31;
	s1 =	sadd.s32 s1, s30  }
0xc0: {  	s0 =	sor.u32 s3, s0;
	s1 =	sshll.u32 s1, $0x11  }
0xc1: {  	s0 =	sor.u32 s1, s0  }
0xc2: {  	s0 =	sadd.s32 $0x8F2B, s0  }
0xc3: {  	[sflag:s0] =	ssyncadd.remote.s32 $0x1  }
0xc4: {  	_ =	sfence.sel $0xFFFF  }
0xc5: {  	[dreg:$0x0] =	wrdreg $0xFFFFFFFF;
	(pc) =	sbr.abs _section_cstart, $3  }
0xc6: {  	[dreg:$0x1] =	wrdreg $0xFFFFFFFF  }
0xc7: {  	_ =	task.clear_ibuf [dreg:s10], $0x2FFFF;
	_ =	strace $0x9FFFFFFF  }
0xc8: {  	(tm) =	ssettm $0x7FFFFFFF  }
0xc9: {  	_ =	shalt  }
tec
execute0_lowered:
.L_overlay_start_1:
0x0: {  	(tag) =	ssettag $0x1  }
0x1: {  	s0 =	rddreg [dreg:$0x0]  }
0x2: {  	s1 =	rddreg [dreg:$0x1]  }
0x3: {  	s2 =	srdreg.scid;
	s6 =	rddreg [dreg:$0x3]  }
0x4: {  	s8 =	stileid.u32;
	s3 =	rddreg [dreg:$0x4]  }
0x5: {  	s28 =	simm.s32 $0xFDE8;
	s29 =	simm.s32 $0x130E8;
	s30 =	simm.s32 $0x2  }
0x6: {  	s31 =	simm.s32 $0x3;
	s2 =	sand.u32 $0x1, s2;
	s4 =	sshll.u32 s8, $0x1  }
0x7: {  	s8 =	smul.u32 $0xFDE8, s8;
	s7 =	sor.u32 s2, s4;
	s4 =	simm.s32 $0x0  }
0x8: {  	s2 =	ssub.s32 $0x2, s2;
	s5 =	smul.u32 $0x3400, s7;
	[smem:$0x7FF] =	sst s4  }
0x9: {  	s9 =	sshrl.u32 s2, $0x1;
	s17 =	sadd.s32 $0x32C8, s8;
	s19 =	sshrl.u32 s8, $0x3  }
0xa: {  	s21 =	sadd.s32 s8, s3;
	s22 =	sadd.s32 $0x6590, s8;
	s23 =	sadd.s32 $0x9858, s8  }
0xb: {  	s25 =	sadd.s32 $0xCB20, s8;
	s26 =	sshll.u32 s7, $0x6;
	s7 =	simm.s32 $0x6  }
0xc: {  	_ =	strace $0x80000047;
	s10 =	sshrl.u32 s17, $0x3;
	[dreg:$0xb] =	wrdreg s21  }
0xd: {  	s12 =	sadd.s32 s17, s3;
	s24 =	sshrl.u32 s22, $0x3;
	s14 =	sshrl.u32 s23, $0x3  }
0xe: {  	s15 =	sadd.s32 s22, s3;
	s8 =	sshrl.u32 s25, $0x3;
	s21 =	simm.s32 $0x163E8  }
0xf: {  	s22 =	simm.s32 $0x171E8;
	s5 =	sshrl.u32 s5, $0x3;
	s20 =	sadd.s32 s1, s10  }
0x10: {  	s13 =	sadd.s32 s1, s24;
	s14 =	sadd.s32 s1, s14;
	s17 =	sadd.s32 s1, s8  }
0x11: {  	s24 =	simm.s32 $0x18BE8;
	s8 =	simm.s32 $0x0;
	s5 =	sadd.s32 s0, s5  }
0x12: {  	s0 =	ssub.s32 s2, s9;
	s9 =	sadd.s32 s1, s19;
	[dreg:$0xa] =	wrdreg s20  }
0x13: {  	s19 =	sadd.s32 s6, s26;
	s26 =	simm.s32 $0x7;
	s2 =	simm.s32 $0x4  }
0x14: {  	s1 =	simm.s32 $0x1;
	s16 =	sadd.s32 $0x1C0, s5;
	[dreg:$0x9] =	wrdreg s9  }
0x15: {  	s6 =	simm.s32 $0xC00;
	s18 =	sadd.s32 $0x340, s5;
	[dreg:$0x6] =	wrdreg s16  }
0x16: {  	s11 =	sadd.s32 $0x500, s5;
	s20 =	smax.u32 s0, $0x1;
	[dreg:$0x7] =	wrdreg s18  }
0x17: {  	s0 =	simm.s32 $0x5;
	[dreg:$0x8] =	wrdreg s11;
	s16 =	sadd.s32 s23, s3  }
0x18: {  	s18 =	sadd.s32 s25, s3;
	s23 =	simm.s32 $0x17DE8;
	s25 =	simm.s32 $0xE00  }
.LBB2_1:
0x19: {  	[tilespmem:s21], [sflag:$0x1] =	stream.linear.gather [hbm4b:s5+s4], $0xE00, $0x38;
	[tilespmem:$0x1CE68] =	vst v63  }
0x1a: {  	s9 =	rddreg [dreg:$0x6]  }
0x1b: {  	[tilespmem:s22], [sflag:$0x1] =	stream.linear.gather [hbm4b:s9+s4], $0xC00, $0x38;
	[tilespmem:$0x1CE68] =	vst v63  }
0x1c: {  	s11 =	rddreg [dreg:$0x7]  }
0x1d: {  	[tilespmem:s23], [sflag:$0x1] =	stream.linear.gather [hbm4b:s11+s4], $0xE00, $0x38;
	[tilespmem:$0x1CE68] =	vst v63  }
0x1e: {  	s10 =	rddreg [dreg:$0x8]  }
0x1f: {  	[tilespmem:s24], [sflag:$0x1] =	stream.linear.gather [hbm4b:s10+s4], $0xC00, $0x38;
	[tilespmem:$0x1CE68] =	vst v63  }
0x20: {  	s11 =	rddreg [dreg:$0x2];
	s10 =	simm.s32 $0x1CDE8  }
0x21: {  	[tilespmem:s10], [sflag:$0x7] =	stream.linear.gather [hbm4b:s11+s4], $0x80, $0x38;
	[tilespmem:$0x1CE68] =	vst v63  }
0x22: {  	_ =	swait.ge [sflag:s26], $0x80  }
0x23: {  	[sflag:s26] =	ssyncset.done $0x0  }
0x24: {  	s11 =	rddreg [dreg:$0x9];
	[sflag:s26] =	ssyncadd.s32 $0xFFFFFF80  }
0x25: {  	[tilespmem:s28], [sflag:$0x2] =	stream.linear.gather [hbm4b:s11+s4], $0x32C8, $0x38;
	[tilespmem:$0x1CE68] =	vst v63  }
0x26: {  	s10 =	rddreg [dreg:$0xa]  }
0x27: {  	[tilespmem:s29], [sflag:$0x3] =	stream.linear.gather [hbm4b:s10+s4], $0x32C8, $0x38;
	[tilespmem:$0x1CE68] =	vst v63  }
0x28: {  	_ =	swait.ge [sflag:s30], $0x32C8  }
0x29: {  	[sflag:s30] =	ssyncset.done $0x0  }
0x2a: {  	s11 =	rddreg [dreg:$0xb];
	[sflag:s30] =	ssyncadd.s32 $0xFFFFCD38  }
0x2b: {  	[spmem:s11] =	stream.linear.scatter [tilespmem:s28], [sflag:$0x4], $0x32C8, $0x38;
	[tilespmem:$0x1CE68] =	vst v63  }
0x2c: {  	_ =	swait.ge [sflag:s31], $0x32C8  }
0x2d: {  	[sflag:s31] =	ssyncset.done $0x0  }
0x2e: {  	[sflag:s31] =	ssyncadd.s32 $0xFFFFCD38  }
0x2f: {  	[spmem:s12] =	stream.linear.scatter [tilespmem:s29], [sflag:$0x5], $0x32C8, $0x38;
	[tilespmem:$0x1CE68] =	vst v63  }
0x30: {  	_ =	swait.ge [sflag:s2], $0x32C8  }
0x31: {  	[sflag:s2] =	ssyncset.done $0x0  }
0x32: {  	[sflag:s2] =	ssyncadd.s32 $0xFFFFCD38  }
0x33: {  	[tilespmem:s28], [sflag:$0x2] =	stream.linear.gather [hbm4b:s13+s4], $0x32C8, $0x38;
	[tilespmem:$0x1CE68] =	vst v63  }
0x34: {  	_ =	swait.ge [sflag:s0], $0x32C8  }
0x35: {  	[sflag:s0] =	ssyncset.done $0x0  }
0x36: {  	[sflag:s0] =	ssyncadd.s32 $0xFFFFCD38  }
0x37: {  	[tilespmem:s29], [sflag:$0x3] =	stream.linear.gather [hbm4b:s14+s4], $0x32C8, $0x38;
	[tilespmem:$0x1CE68] =	vst v63  }
0x38: {  	_ =	swait.ge [sflag:s30], $0x32C8  }
0x39: {  	[sflag:s30] =	ssyncset.done $0x0  }
0x3a: {  	[sflag:s30] =	ssyncadd.s32 $0xFFFFCD38  }
0x3b: {  	[spmem:s15] =	stream.linear.scatter [tilespmem:s28], [sflag:$0x4], $0x32C8, $0x38;
	[tilespmem:$0x1CE68] =	vst v63  }
0x3c: {  	_ =	swait.ge [sflag:s31], $0x32C8  }
0x3d: {  	[sflag:s31] =	ssyncset.done $0x0  }
0x3e: {  	[sflag:s31] =	ssyncadd.s32 $0xFFFFCD38  }
0x3f: {  	[spmem:s16] =	stream.linear.scatter [tilespmem:s29], [sflag:$0x5], $0x32C8, $0x38;
	[tilespmem:$0x1CE68] =	vst v63  }
0x40: {  	_ =	swait.ge [sflag:s2], $0x32C8  }
0x41: {  	[sflag:s2] =	ssyncset.done $0x0  }
0x42: {  	[sflag:s2] =	ssyncadd.s32 $0xFFFFCD38  }
0x43: {  	[tilespmem:s28], [sflag:$0x2] =	stream.linear.gather [hbm4b:s17+s4], $0x32C8, $0x38;
	[tilespmem:$0x1CE68] =	vst v63  }
0x44: {  	_ =	swait.ge [sflag:s30], $0x32C8  }
0x45: {  	[sflag:s30] =	ssyncset.done $0x0  }
0x46: {  	[sflag:s30] =	ssyncadd.s32 $0xFFFFCD38  }
0x47: {  	[spmem:s18] =	stream.linear.scatter [tilespmem:s28], [sflag:$0x4], $0x32C8, $0x38;
	[tilespmem:$0x1CE68] =	vst v63  }
0x48: {  	_ =	swait.ge [sflag:s1], $0xE00  }
0x49: {  	[sflag:s1] =	ssyncset.done $0x0  }
0x4a: {  	[sflag:s1] =	ssyncadd.s32 $0xFFFFF200  }
0x4b: {  	_ =	swait.ge [sflag:s1], $0xC00  }
0x4c: {  	[sflag:s1] =	ssyncset.done $0x0  }
0x4d: {  	[sflag:s1] =	ssyncadd.s32 $0xFFFFF400  }
0x4e: {  	_ =	swait.ge [sflag:s1], $0xE00  }
0x4f: {  	[sflag:s1] =	ssyncset.done $0x0  }
0x50: {  	[sflag:s1] =	ssyncadd.s32 $0xFFFFF200  }
0x51: {  	_ =	swait.ge [sflag:s1], $0xC00  }
0x52: {  	[sflag:s1] =	ssyncset.done $0x0  }
0x53: {  	s9 =	simm.s32 $0xFFFFFE00;
	[sflag:s1] =	ssyncadd.s32 $0xFFFFF400  }
0x54: {  	v0 =	vld [tilespmem:s9+$0x167E8]  }
0x55: {  	v1 =	vld [tilespmem:s9+$0x169E8]  }
0x56: {  	v2 =	vld [tilespmem:s9+$0x16BE8]  }
0x57: {  	v3 =	vld [tilespmem:s9+$0x16DE8]  }
0x58: {  	v4 =	vld [tilespmem:s9+$0x16FE8]  }
0x59: {  	v5 =	vld [tilespmem:s9+$0x171E8];
	v0 =	vadd.s32 $0x9C40, v0  }
0x5a: {  	[tilespmem:s9+$0x167E8] =	vst v0;
	v0 =	vadd.s32 $0x13880, v1;
	v1 =	vld [tilespmem:s9+$0x173E8]  }
0x5b: {  	[tilespmem:s9+$0x169E8] =	vst v0;
	v0 =	vadd.s32 $0x1D4C0, v2;
	v2 =	vld [tilespmem:s9+$0x175E8]  }
0x5c: {  	[tilespmem:s9+$0x16BE8] =	vst v0;
	v0 =	vadd.s32 $0x27100, v3;
	v3 =	vld [tilespmem:s9+$0x177E8]  }
0x5d: {  	[tilespmem:s9+$0x16DE8] =	vst v0;
	v0 =	vadd.s32 $0x30D40, v4;
	v4 =	vld [tilespmem:s9+$0x179E8]  }
0x5e: {  	[tilespmem:s9+$0x16FE8] =	vst v0;
	v0 =	vadd.s32 $0x3A980, v5;
	v5 =	vld [tilespmem:s9+$0x17BE8]  }
0x5f: {  	[tilespmem:s9+$0x171E8] =	vst v0;
	v0 =	vadd.s32 $0x445C0, v1;
	v1 =	vld [tilespmem:s9+$0x17DE8]  }
0x60: {  	[tilespmem:s9+$0x173E8] =	vst v0;
	v0 =	vadd.s32 $0x4E200, v2;
	v2 =	vld [tilespmem:s9+$0x17FE8]  }
0x61: {  	[tilespmem:s9+$0x175E8] =	vst v0;
	v0 =	vadd.s32 $0x57E40, v3;
	v3 =	vld [tilespmem:s9+$0x181E8]  }
0x62: {  	[tilespmem:s9+$0x177E8] =	vst v0;
	v0 =	vadd.s32 $0x61A80, v4;
	v4 =	vld [tilespmem:s9+$0x183E8]  }
0x63: {  	[tilespmem:s9+$0x179E8] =	vst v0;
	v0 =	vadd.s32 $0x6B6C0, v5;
	v5 =	vld [tilespmem:s9+$0x185E8]  }
0x64: {  	v6 =	vld [tilespmem:s9+$0x187E8];
	[tilespmem:s9+$0x17BE8] =	vst v0;
	v0 =	vadd.s32 $0x75300, v1  }
0x65: {  	v7 =	vld [tilespmem:s9+$0x189E8];
	[tilespmem:s9+$0x17DE8] =	vst v0;
	v0 =	vadd.s32 $0x7EF40, v2  }
0x66: {  	v8 =	vld [tilespmem:s9+$0x18BE8];
	[tilespmem:s9+$0x17FE8] =	vst v0;
	v0 =	vadd.s32 $0x88B80, v3  }
0x67: {  	v1 =	vld [tilespmem:s9+$0x18DE8];
	[tilespmem:s9+$0x181E8] =	vst v0;
	v0 =	vadd.s32 $0x927C0, v4  }
0x68: {  	[tilespmem:s9+$0x183E8] =	vst v0;
	v2 =	vadd.s32 $0x9C400, v5;
	v0 =	vld [tilespmem:s9+$0x18FE8]  }
0x69: {  	v3 =	vadd.s32 $0xA6040, v6;
	[tilespmem:s9+$0x185E8] =	vst v2;
	v2 =	vld [tilespmem:s9+$0x191E8]  }
0x6a: {  	[tilespmem:s9+$0x187E8] =	vst v3;
	v4 =	vadd.s32 $0xAFC80, v7;
	v3 =	vld [tilespmem:s9+$0x193E8]  }
0x6b: {  	s10 =	simm.s32 $0xFFFFF840;
	[tilespmem:s9+$0x189E8] =	vst v4;
	v5 =	vadd.s32 $0xB98C0, v8;
	v4 =	vld [tilespmem:s9+$0x195E8]  }
.LBB2_2:
0x6c: {  	s11 =	sshra.s32 s10, $0x2;
	p0 =	sne.s32 s10, $0xFFFFFFC0;
	[tilespmem:s9+$0x18BE8] =	vst v5;
	v1 =	vadd.s32 $0xC3500, v1;
	v5 =	vld [tilespmem:s9+$0x197E8]  }
0x6d: {  	v6 =	vld [tilespmem:s11+$0x167E8];
	[tilespmem:s9+$0x18DE8] =	vst v1;
	v0 =	vadd.s32 $0xCD140, v0  }
0x6e: {  	v1 =	vld [tilespmem:s11+$0x169E8];
	[tilespmem:s9+$0x18FE8] =	vst v0;
	v0 =	vadd.s32 $0xD6D80, v2  }
0x6f: {  	v2 =	vld [tilespmem:s11+$0x16BE8];
	[tilespmem:s9+$0x191E8] =	vst v0;
	v0 =	vadd.s32 $0xE09C0, v3  }
0x70: {  	v3 =	vld [tilespmem:s11+$0x16DE8];
	[tilespmem:s9+$0x193E8] =	vst v0;
	v0 =	vadd.s32 $0xEA600, v4  }
0x71: {  	v4 =	vld [tilespmem:s11+$0x16FE8];
	[tilespmem:s9+$0x195E8] =	vst v0;
	v0 =	vadd.s32 $0xF4240, v5  }
0x72: {  	v5 =	vadd.s32 $0x9C40, v6;
	v6 =	vld [tilespmem:s11+$0x171E8];
	[tilespmem:s9+$0x197E8] =	vst v0;
	s9 =	smov.u32 s11  }
0x73: {  	[tilespmem:s9+$0x167E8] =	vst v5;
	v0 =	vadd.s32 $0x13880, v1;
	v1 =	vld [tilespmem:s9+$0x173E8]  }
0x74: {  	[tilespmem:s9+$0x169E8] =	vst v0;
	v0 =	vadd.s32 $0x1D4C0, v2;
	v2 =	vld [tilespmem:s9+$0x175E8]  }
0x75: {  	[tilespmem:s9+$0x16BE8] =	vst v0;
	v0 =	vadd.s32 $0x27100, v3;
	v3 =	vld [tilespmem:s9+$0x177E8]  }
0x76: {  	[tilespmem:s9+$0x16DE8] =	vst v0;
	v0 =	vadd.s32 $0x30D40, v4;
	v4 =	vld [tilespmem:s9+$0x179E8]  }
0x77: {  	[tilespmem:s9+$0x16FE8] =	vst v0;
	v0 =	vadd.s32 $0x3A980, v6;
	v5 =	vld [tilespmem:s9+$0x17BE8]  }
0x78: {  	[tilespmem:s9+$0x171E8] =	vst v0;
	v0 =	vadd.s32 $0x445C0, v1;
	v1 =	vld [tilespmem:s9+$0x17DE8]  }
0x79: {  	[tilespmem:s9+$0x173E8] =	vst v0;
	v0 =	vadd.s32 $0x4E200, v2;
	v2 =	vld [tilespmem:s9+$0x17FE8]  }
0x7a: {  	[tilespmem:s9+$0x175E8] =	vst v0;
	v0 =	vadd.s32 $0x57E40, v3;
	v3 =	vld [tilespmem:s9+$0x181E8]  }
0x7b: {  	[tilespmem:s9+$0x177E8] =	vst v0;
	v0 =	vadd.s32 $0x61A80, v4;
	v4 =	vld [tilespmem:s9+$0x183E8]  }
0x7c: {  	[tilespmem:s9+$0x179E8] =	vst v0;
	v0 =	vadd.s32 $0x6B6C0, v5;
	v5 =	vld [tilespmem:s9+$0x185E8]  }
0x7d: {  	[tilespmem:s9+$0x17BE8] =	vst v0;
	v0 =	vadd.s32 $0x75300, v1;
	v6 =	vld [tilespmem:s9+$0x187E8]  }
0x7e: {  	[tilespmem:s9+$0x17DE8] =	vst v0;
	v0 =	vadd.s32 $0x7EF40, v2;
	v7 =	vld [tilespmem:s9+$0x189E8]  }
0x7f: {  	[tilespmem:s9+$0x17FE8] =	vst v0;
	v0 =	vadd.s32 $0x88B80, v3;
	v8 =	vld [tilespmem:s9+$0x18BE8]  }
.Ltmp0:
0x80: {  	[tilespmem:s9+$0x181E8] =	vst v0;
	v0 =	vadd.s32 $0x927C0, v4;
	v1 =	vld [tilespmem:s9+$0x18DE8];
	(pc) =	sbr.rel @p0 .LBB2_2-.Ltmp0, $4  }
0x81: {  	[tilespmem:s9+$0x183E8] =	vst v0;
	v2 =	vadd.s32 $0x9C400, v5;
	v0 =	vld [tilespmem:s9+$0x18FE8]  }
0x82: {  	[tilespmem:s9+$0x185E8] =	vst v2;
	v3 =	vadd.s32 $0xA6040, v6;
	v2 =	vld [tilespmem:s9+$0x191E8]  }
0x83: {  	[tilespmem:s9+$0x187E8] =	vst v3;
	v4 =	vadd.s32 $0xAFC80, v7;
	v3 =	vld [tilespmem:s9+$0x193E8]  }
0x84: {  	s10 =	sadd.s32 $0x40, s10;
	[tilespmem:s9+$0x189E8] =	vst v4;
	v5 =	vadd.s32 $0xB98C0, v8;
	v4 =	vld [tilespmem:s9+$0x195E8]  }
0x85: {  	[tilespmem:s9+$0x18BE8] =	vst v5;
	v1 =	vadd.s32 $0xC3500, v1;
	v63 =	vld [tilespmem:s9+$0x197E8]  }
0x86: {  	[tilespmem:s9+$0x18DE8] =	vst v1;
	v0 =	vadd.s32 $0xCD140, v0  }
0x87: {  	[tilespmem:s9+$0x18FE8] =	vst v0;
	v0 =	vadd.s32 $0xD6D80, v2  }
0x88: {  	[tilespmem:s9+$0x191E8] =	vst v0;
	v0 =	vadd.s32 $0xE09C0, v3  }
0x89: {  	[tilespmem:s9+$0x193E8] =	vst v0;
	v0 =	vadd.s32 $0xEA600, v4  }
0x8a: {  	[tilespmem:s9+$0x195E8] =	vst v0;
	v0 =	vadd.s32 $0xF4240, v63  }
0x8b: {  	[tilespmem:s9+$0x197E8] =	vst v0  }
0x8c: {  	_ =	swait.ge [sflag:s0], $0x32C8  }
0x8d: {  	[sflag:s0] =	ssyncset.done $0x0  }
0x8e: {  	[sflag:s0] =	ssyncadd.s32 $0xFFFFCD38  }
0x8f: {  	_ =	swait.ge [sflag:s2], $0x32C8  }
0x90: {  	[sflag:s2] =	ssyncset.done $0x0  }
0x91: {  	[sflag:s2] =	ssyncadd.s32 $0xFFFFCD38  }
0x92: {  	s10 =	simm.s32 $0x197E8;
	[bflag:$0x0] =	sbarrier.arrive $0xFFFF  }
0x93: {  	[tilespmem:s10], [sflag:$0x6] =	stream.indirect.gather [spmem:s3], $0x1, s21, s25, $0xb8;
	[tilespmem:$0x1CE68] =	vst v63  }
0x94: {  	s11 =	simm.s32 $0x1A5E8  }
0x95: {  	[tilespmem:s11], [sflag:$0x6] =	stream.indirect.gather [spmem:s3], $0x1, s22, s6, $0xb8;
	[tilespmem:$0x1CE68] =	vst v63  }
0x96: {  	s10 =	simm.s32 $0x1B1E8  }
0x97: {  	[tilespmem:s10], [sflag:$0x6] =	stream.indirect.gather [spmem:s3], $0x1, s23, s25, $0xb8;
	[tilespmem:$0x1CE68] =	vst v63  }
0x98: {  	s11 =	simm.s32 $0x1BFE8  }
0x99: {  	[tilespmem:s11], [sflag:$0x6] =	stream.indirect.gather [spmem:s3], $0x1, s24, s6, $0xb8;
	[tilespmem:$0x1CE68] =	vst v63  }
0x9a: {  	_ =	swait.ge [sflag:s7], $0xE00  }
0x9b: {  	[sflag:s7] =	ssyncset.done $0x0  }
0x9c: {  	[sflag:s7] =	ssyncadd.s32 $0xFFFFF200  }
0x9d: {  	_ =	swait.ge [sflag:s7], $0xC00  }
0x9e: {  	[sflag:s7] =	ssyncset.done $0x0  }
0x9f: {  	[sflag:s7] =	ssyncadd.s32 $0xFFFFF400  }
0xa0: {  	_ =	swait.ge [sflag:s7], $0xE00  }
0xa1: {  	[sflag:s7] =	ssyncset.done $0x0  }
0xa2: {  	[sflag:s7] =	ssyncadd.s32 $0xFFFFF200  }
0xa3: {  	_ =	swait.ge [sflag:s7], $0xC00  }
0xa4: {  	[sflag:s7] =	ssyncset.done $0x0  }
0xa5: {  	s9 =	simm.s32 $0x0;
	[sflag:s7] =	ssyncadd.s32 $0xFFFFF400  }
0xa6: {  	s10 =	simm.s32 $0x40;
	v0 =	vld [tilespmem:s9+$0x197E8]  }
.LBB2_4:
0xa7: {  	p0 =	sne.s32 s10, $0x7C0;
	v1 =	vld [tilespmem:$0x1CDE8];
	_ =	sdelay $0x1  }
0xa8: {  	v2 =	vld [tilespmem:s9+$0x199E8];
	_ =	sdelay $0x1  }
0xa9: {  	v3 =	vld [tilespmem:s9+$0x19BE8]  }
0xaa: {  	v0 =	vadd.f32 v0, v1  }
0xab: {  	v1 =	vld [tilespmem:s9+$0x19DE8]  }
0xac: {  	v0 =	vadd.f32 v2, v0  }
0xad: {  	v2 =	vld [tilespmem:s9+$0x19FE8]  }
0xae: {  	v0 =	vadd.f32 v3, v0  }
0xaf: {  	v3 =	vld [tilespmem:s9+$0x1A1E8]  }
0xb0: {  	v0 =	vadd.f32 v1, v0  }
0xb1: {  	v1 =	vld [tilespmem:s9+$0x1A3E8]  }
0xb2: {  	v0 =	vadd.f32 v2, v0  }
0xb3: {  	v2 =	vld [tilespmem:s9+$0x1A5E8]  }
0xb4: {  	v0 =	vadd.f32 v3, v0  }
0xb5: {  	v3 =	vld [tilespmem:s9+$0x1A7E8]  }
0xb6: {  	v0 =	vadd.f32 v1, v0  }
0xb7: {  	v1 =	vld [tilespmem:s9+$0x1A9E8]  }
0xb8: {  	v0 =	vadd.f32 v2, v0  }
0xb9: {  	v2 =	vld [tilespmem:s9+$0x1ABE8]  }
0xba: {  	v0 =	vadd.f32 v3, v0  }
0xbb: {  	v3 =	vld [tilespmem:s9+$0x1ADE8]  }
0xbc: {  	v0 =	vadd.f32 v1, v0  }
0xbd: {  	v1 =	vld [tilespmem:s9+$0x1AFE8]  }
0xbe: {  	v0 =	vadd.f32 v2, v0  }
0xbf: {  	v2 =	vld [tilespmem:s9+$0x1B1E8]  }
0xc0: {  	v0 =	vadd.f32 v3, v0  }
0xc1: {  	v3 =	vld [tilespmem:s9+$0x1B3E8]  }
0xc2: {  	v0 =	vadd.f32 v1, v0  }
0xc3: {  	v1 =	vld [tilespmem:s9+$0x1B5E8]  }
0xc4: {  	v0 =	vadd.f32 v2, v0  }
0xc5: {  	v2 =	vld [tilespmem:s9+$0x1B7E8]  }
0xc6: {  	v0 =	vadd.f32 v3, v0  }
0xc7: {  	v3 =	vld [tilespmem:s9+$0x1B9E8]  }
0xc8: {  	v0 =	vadd.f32 v1, v0  }
0xc9: {  	v1 =	vld [tilespmem:s9+$0x1BBE8]  }
0xca: {  	v0 =	vadd.f32 v2, v0  }
0xcb: {  	v2 =	vld [tilespmem:s9+$0x1BDE8]  }
0xcc: {  	v0 =	vadd.f32 v3, v0  }
0xcd: {  	v3 =	vld [tilespmem:s9+$0x1BFE8]  }
0xce: {  	v0 =	vadd.f32 v1, v0  }
0xcf: {  	v1 =	vld [tilespmem:s9+$0x1C1E8]  }
0xd0: {  	v0 =	vadd.f32 v2, v0  }
0xd1: {  	v2 =	vld [tilespmem:s9+$0x1C3E8]  }
0xd2: {  	v0 =	vadd.f32 v3, v0  }
0xd3: {  	v3 =	vld [tilespmem:s9+$0x1C5E8]  }
0xd4: {  	v0 =	vadd.f32 v1, v0  }
0xd5: {  	v1 =	vld [tilespmem:s9+$0x1C7E8]  }
0xd6: {  	v0 =	vadd.f32 v2, v0  }
0xd7: {  	v2 =	vld [tilespmem:s9+$0x1C9E8]  }
0xd8: {  	v0 =	vadd.f32 v3, v0;
	_ =	sdelay $0x1  }
.Ltmp1:
0xd9: {  	v0 =	vadd.f32 v1, v0;
	(pc) =	sbr.rel @p0 .LBB2_4-.Ltmp1, $4  }
0xda: {  	_ = 	snop  }
0xdb: {  	v1 =	vadd.f32 v2, v0  }
0xdc: {  	s11 =	sshra.s32 s10, $0x2  }
0xdd: {  	s10 =	sadd.s32 $0x40, s10;
	v0 =	vld [tilespmem:s11+$0x197E8];
	[tilespmem:s9+$0x1CBE8] =	vst v1;
	s9 =	smov.u32 s11  }
0xde: {  	v1 =	vld [tilespmem:$0x1CDE8];
	_ =	sdelay $0x1  }
0xdf: {  	v2 =	vld [tilespmem:s9+$0x199E8];
	_ =	sdelay $0x1  }
0xe0: {  	v3 =	vld [tilespmem:s9+$0x19BE8]  }
0xe1: {  	v0 =	vadd.f32 v0, v1  }
0xe2: {  	v41 =	vld [tilespmem:s9+$0x19DE8]  }
0xe3: {  	v0 =	vadd.f32 v2, v0  }
0xe4: {  	v42 =	vld [tilespmem:s9+$0x19FE8]  }
0xe5: {  	v0 =	vadd.f32 v3, v0  }
0xe6: {  	v43 =	vld [tilespmem:s9+$0x1A1E8]  }
0xe7: {  	v0 =	vadd.f32 v41, v0  }
0xe8: {  	v44 =	vld [tilespmem:s9+$0x1A3E8]  }
0xe9: {  	v0 =	vadd.f32 v42, v0  }
0xea: {  	v45 =	vld [tilespmem:s9+$0x1A5E8]  }
0xeb: {  	v0 =	vadd.f32 v43, v0  }
0xec: {  	v46 =	vld [tilespmem:s9+$0x1A7E8]  }
0xed: {  	v0 =	vadd.f32 v44, v0  }
0xee: {  	v47 =	vld [tilespmem:s9+$0x1A9E8]  }
0xef: {  	v0 =	vadd.f32 v45, v0  }
0xf0: {  	v48 =	vld [tilespmem:s9+$0x1ABE8]  }
0xf1: {  	v0 =	vadd.f32 v46, v0  }
0xf2: {  	v49 =	vld [tilespmem:s9+$0x1ADE8]  }
0xf3: {  	v0 =	vadd.f32 v47, v0  }
0xf4: {  	v50 =	vld [tilespmem:s9+$0x1AFE8]  }
0xf5: {  	v0 =	vadd.f32 v48, v0  }
0xf6: {  	v51 =	vld [tilespmem:s9+$0x1B1E8]  }
0xf7: {  	v0 =	vadd.f32 v49, v0  }
0xf8: {  	v52 =	vld [tilespmem:s9+$0x1B3E8]  }
0xf9: {  	v0 =	vadd.f32 v50, v0  }
0xfa: {  	v53 =	vld [tilespmem:s9+$0x1B5E8]  }
0xfb: {  	v0 =	vadd.f32 v51, v0  }
0xfc: {  	v54 =	vld [tilespmem:s9+$0x1B7E8]  }
0xfd: {  	v0 =	vadd.f32 v52, v0  }
0xfe: {  	v55 =	vld [tilespmem:s9+$0x1B9E8]  }
0xff: {  	v0 =	vadd.f32 v53, v0  }
0x100: {  	v56 =	vld [tilespmem:s9+$0x1BBE8]  }
0x101: {  	v0 =	vadd.f32 v54, v0  }
0x102: {  	v57 =	vld [tilespmem:s9+$0x1BDE8]  }
0x103: {  	v0 =	vadd.f32 v55, v0  }
0x104: {  	v58 =	vld [tilespmem:s9+$0x1BFE8]  }
0x105: {  	v0 =	vadd.f32 v56, v0  }
0x106: {  	v59 =	vld [tilespmem:s9+$0x1C1E8]  }
0x107: {  	v0 =	vadd.f32 v57, v0  }
0x108: {  	v60 =	vld [tilespmem:s9+$0x1C3E8]  }
0x109: {  	v0 =	vadd.f32 v58, v0  }
0x10a: {  	v61 =	vld [tilespmem:s9+$0x1C5E8]  }
0x10b: {  	v0 =	vadd.f32 v59, v0  }
0x10c: {  	v62 =	vld [tilespmem:s9+$0x1C7E8]  }
0x10d: {  	v0 =	vadd.f32 v60, v0  }
0x10e: {  	v63 =	vld [tilespmem:s9+$0x1C9E8]  }
0x10f: {  	v0 =	vadd.f32 v61, v0;
	_ =	sdelay $0x1  }
0x110: {  	v0 =	vadd.f32 v62, v0;
	_ =	sdelay $0x1  }
0x111: {  	s8 =	sadd.s32 $0x1, s8;
	v0 =	vadd.f32 v63, v0  }
0x112: {  	p0 =	sne.s32 s8, s20  }
.Ltmp2:
0x113: {  	s11 =	simm.s32 $0x1CBE8;
	[tilespmem:s9+$0x1CBE8] =	vst v0;
	(pc) =	sbr.rel @p0 .LBB2_1-.Ltmp2, $4  }
0x114: {  	[hbm4b:s19+s4] =	stream.linear.scatter [tilespmem:s11], [sflag:$0x7], $0x200, $0x38;
	[tilespmem:$0x1CE68] =	vst v63  }
0x115: {  	_ =	swait.ge [sflag:s26], $0x200  }
0x116: {  	[sflag:s26] =	ssyncset.done $0x0  }
0x117: {  	[sflag:s26] =	ssyncadd.s32 $0xFFFFFE00  }
0x118: {  	_ =	sfence.sel $0x180000  }
0x119: {  	[bflag:$0x0] =	sbarrier.arrive $0xFFFF  }
0x11a: {  	_ =	strace $0x90000047  }
0x11b: {  	s0 =	stileid.u32;
	[bflag:$0x2] =	sbarrier.arrive $0xFFFF  }
0x11c: {  	p0 =	sne.s32 s0, $0x0;
	s0 =	rddreg [dreg:$0x5]  }
0x11d: {  	s0 =	sadd.s32 @!p0 $0x100000, s0  }
0x11e: {  	[sflag:s0] =	ssyncadd.tile.s32 @!p0 $0x1;
	_ =	shalt  }
.Lfunc_end2:
_tile_overlayer_lowered:
.L_overlay_start_2:
0x11f: {  	(tag) =	ssettag $0x2  }
0x120: {  	s0 =	rddreg [dreg:$0x0];
	s2 =	stileid.u32  }
0x121: {  	s1 =	rddreg [dreg:$0x1];
	p0 =	sne.s32 s2, $0x0  }
0x122: {  	s3 =	rddreg [dreg:$0x2];
	[bflag:$0x3] =	sbarrier.arrive $0xFFFF;
	s2 =	simm.s32 @!p0 $0x1C07  }
0x123: {  	[timem:s3], [sflag:s2] =	dma.local @!p0 [hbm:s0], s1  }
0x124: {  	s0 =	simm.s32 @!p0 $0x7  }
0x125: {  	_ =	swait.ge @!p0 [sflag:s0], s1  }
0x126: {  	s1 =	ssub.s32 @!p0 $0x0, s1;
	[sflag:s0] =	ssyncset.done @!p0 $0x0  }
0x127: {  	[sflag:s0] =	ssyncadd.s32 @!p0 s1  }
0x128: {  	[bflag:$0x3] =	sbarrier.arrive $0xFFFF  }
0x129: {  	_ =	shalt  }

</sc_bundles>
